<compile_context>
chip_gen: v7x
topology: tpu7x:2x2x1
jax: 0.10.2.dev20260603
libtpu: 0.0.44.dev20260713+nightly
codegen_flags: <defaults>
</compile_context>

<pallas_src>
import jax
import jax.numpy as jnp
from jax import lax
from jax.experimental import pallas as pl
from jax.experimental.pallas import tpu as pltpu
from jax.experimental.pallas import tpu_sc as plsc

_RUNS = ((0, 9, 1), (1, 0, 6), (7, 7, 2), (9, 10, 2), (11, 13, 8))

_B = 1024
_NW = 32
_B_PER = _B // _NW
_PAIRS = _B_PER // 2


def _body(x_hbm, out_hbm, buf, s_in0, s_in1, s_out0, s_out1):
    wid = lax.axis_index("s") * 2 + lax.axis_index("c")
    b0 = wid * _B_PER

    def gather(b, slot, sem):
        for (o, s, n) in _RUNS:
            pltpu.make_async_copy(
                x_hbm.at[b, :, pl.ds(s, n), :],
                buf.at[slot, :, pl.ds(o, n), :],
                sem,
            ).start()

    def gather_wait(b, slot, sem):
        for (o, s, n) in _RUNS:
            pltpu.make_async_copy(
                x_hbm.at[b, :, pl.ds(s, n), :],
                buf.at[slot, :, pl.ds(o, n), :],
                sem,
            ).wait()

    def put(b, slot, sem):
        return pltpu.make_async_copy(buf.at[slot], out_hbm.at[b], sem)

    gather(b0, 0, s_in0)

    def pair(k, _):
        b = b0 + 2 * k

        @pl.when(k >= 1)
        def _():
            put(b - 1, 1, s_out1).wait()

        gather(b + 1, 1, s_in1)
        gather_wait(b, 0, s_in0)
        put(b, 0, s_out0).start()

        put(b, 0, s_out0).wait()

        @pl.when(k + 1 < _PAIRS)
        def _():
            gather(b + 2, 0, s_in0)

        gather_wait(b + 1, 1, s_in1)
        put(b + 1, 1, s_out1).start()
        return 0

    lax.fori_loop(0, _PAIRS, pair, 0)
    put(b0 + _B_PER - 1, 1, s_out1).wait()


@jax.jit
def kernel(x):
    run = pl.kernel(
        _body,
        out_type=jax.ShapeDtypeStruct((_B, 1, 19, 2048), jnp.float32),
        mesh=plsc.VectorSubcoreMesh(core_axis_name="c", subcore_axis_name="s"),
        scratch_types=[
            pltpu.VMEM((2, 1, 19, 2048), jnp.float32),
            pltpu.SemaphoreType.DMA,
            pltpu.SemaphoreType.DMA,
            pltpu.SemaphoreType.DMA,
            pltpu.SemaphoreType.DMA,
        ],
        compiler_params=pltpu.CompilerParams(use_tc_tiling_on_sc=False),
    )
    return run(x)

# --- scband reference (transcript-rebuilt; emitter-appended) ---
"""Pipeline reference for scband-select-local-region5x5-62173946577492 (READ-ONLY COPY).

The authoritative reference and input builder live on the scoring server;
editing this copy changes nothing except your own understanding.
"""

import jax, jax.numpy as jnp
import numpy as np

# local_regions_5x5[10] from the original module
_IDX = jnp.array([9, 0, 1, 2, 3, 4, 5, 7, 8, 10, 11, 13, 14, 15, 16, 17, 18, 19, 20], dtype=jnp.int32)


def setup_inputs(seed: int = 0) -> dict:
    key = jax.random.key(seed)
    x = jax.random.normal(key, (1024, 1, 22, 2048), dtype=jnp.float32)
    return {"x": x}


def reference(x):
    # x: (batch, 1, 22, n_time) -> select local region channels along axis 2
    assert x.shape[2] == 22
    return jnp.take(x, _IDX, axis=2)

if __name__ == "__main__":
    import jax
    _d = setup_inputs()
    print(jax.jit(kernel)(*tuple(_d.values())))

</pallas_src>

<mosaic_0001>
#map = affine_map<(d0, d1) -> (0, 0, 0, 0)>
module attributes {stable_mosaic.version = 14 : i64} {
  func.func @_body(%arg0: i32, %arg1: i32, %arg2: memref<1024x1x22x2048xf32, #tpu.memory_space<hbm>>, %arg3: memref<1024x1x19x2048xf32, #tpu.memory_space<hbm>>, %arg4: memref<2x1x19x2048xf32, #tpu.memory_space<vmem>>, %arg5: memref<!tpu.dma_semaphore, #tpu.memory_space<semaphore_mem>>, %arg6: memref<!tpu.dma_semaphore, #tpu.memory_space<semaphore_mem>>, %arg7: memref<!tpu.dma_semaphore, #tpu.memory_space<semaphore_mem>>, %arg8: memref<!tpu.dma_semaphore, #tpu.memory_space<semaphore_mem>>) attributes {dimension_semantics = [#tpu.dimension_semantics<core_parallel>, #tpu.dimension_semantics<subcore_parallel>], iteration_bounds = array<i64: 2, 16>, scalar_prefetch = 0 : i64, scratch_operands = 5 : i64, tpu.core_type = #tpu.core_type<sc_vector_subcore>, window_params = [{transform_indices = #map}, {transform_indices = #map}]} {
    %mul3A = arith.constant 2 : i32
    %mul3A_0 = arith.muli %arg1, %mul3A : i32
    %add3A = arith.addi %mul3A_0, %arg0 : i32
    %mul3A_1 = arith.constant 32 : i32
    %mul3A_2 = arith.muli %add3A, %mul3A_1 : i32
    %dma_start3A = arith.constant 0 : i32
    %dma_start3A_3 = arith.constant 0 : i32
    %dma_start3A_4 = arith.constant 0 : i32
    %dma_start3A_5 = arith.constant 0 : i32
    %dma_start3A_6 = tpu.memref_slice %arg4[%dma_start3A, %dma_start3A_3, %dma_start3A_4, %dma_start3A_5] : memref<2x1x19x2048xf32, #tpu.memory_space<vmem>> -> memref<1x1x1x2048xf32, #tpu.memory_space<vmem>>
    %dma_start3A_7 = tpu.memref_squeeze %dma_start3A_6 : memref<1x1x1x2048xf32, #tpu.memory_space<vmem>> -> memref<1x1x2048xf32, #tpu.memory_space<vmem>>
    %dma_start3A_8 = arith.constant 0 : i32
    %dma_start3A_9 = arith.constant 9 : i32
    %dma_start3A_10 = arith.constant 0 : i32
    %dma_start3A_11 = tpu.memref_slice %arg2[%mul3A_2, %dma_start3A_8, %dma_start3A_9, %dma_start3A_10] : memref<1024x1x22x2048xf32, #tpu.memory_space<hbm>> -> memref<1x1x1x2048xf32, #tpu.memory_space<hbm>>
    %dma_start3A_12 = tpu.memref_squeeze %dma_start3A_11 : memref<1x1x1x2048xf32, #tpu.memory_space<hbm>> -> memref<1x1x2048xf32, #tpu.memory_space<hbm>>
    %dma_start3A_13 = arith.constant 0 : i32
    %dma_start3A_14 = arith.constant 0 : i32
    %dma_start3A_15 = arith.constant 0 : i32
    %dma_start3A_16 = tpu.memref_slice %arg4[%dma_start3A, %dma_start3A_13, %dma_start3A_14, %dma_start3A_15] : memref<2x1x19x2048xf32, #tpu.memory_space<vmem>> -> memref<1x1x1x2048xf32, #tpu.memory_space<vmem>>
    %dma_start3A_17 = tpu.memref_squeeze %dma_start3A_16 : memref<1x1x1x2048xf32, #tpu.memory_space<vmem>> -> memref<1x1x2048xf32, #tpu.memory_space<vmem>>
    %dma_start3A_18 = arith.constant 0 : i32
    %dma_start3A_19 = arith.constant 9 : i32
    %dma_start3A_20 = arith.constant 0 : i32
    %dma_start3A_21 = tpu.memref_slice %arg2[%mul3A_2, %dma_start3A_18, %dma_start3A_19, %dma_start3A_20] : memref<1024x1x22x2048xf32, #tpu.memory_space<hbm>> -> memref<1x1x1x2048xf32, #tpu.memory_space<hbm>>
    %dma_start3A_22 = tpu.memref_squeeze %dma_start3A_21 : memref<1x1x1x2048xf32, #tpu.memory_space<hbm>> -> memref<1x1x2048xf32, #tpu.memory_space<hbm>>
    tpu.enqueue_dma source(%dma_start3A_22 : memref<1x1x2048xf32, #tpu.memory_space<hbm>>) target(%dma_start3A_17 : memref<1x1x2048xf32, #tpu.memory_space<vmem>>) target_semaphore(%arg5 : memref<!tpu.dma_semaphore, #tpu.memory_space<semaphore_mem>>)
    %dma_start3A_23 = arith.constant 0 : i32
    %dma_start3A_24 = arith.constant 0 : i32
    %dma_start3A_25 = arith.constant 1 : i32
    %dma_start3A_26 = arith.constant 0 : i32
    %dma_start3A_27 = tpu.memref_slice %arg4[%dma_start3A_23, %dma_start3A_24, %dma_start3A_25, %dma_start3A_26] : memref<2x1x19x2048xf32, #tpu.memory_space<vmem>> -> memref<1x1x6x2048xf32, #tpu.memory_space<vmem>>
    %dma_start3A_28 = tpu.memref_squeeze %dma_start3A_27 : memref<1x1x6x2048xf32, #tpu.memory_space<vmem>> -> memref<1x6x2048xf32, #tpu.memory_space<vmem>>
    %dma_start3A_29 = arith.constant 0 : i32
    %dma_start3A_30 = arith.constant 0 : i32
    %dma_start3A_31 = arith.constant 0 : i32
    %dma_start3A_32 = tpu.memref_slice %arg2[%mul3A_2, %dma_start3A_29, %dma_start3A_30, %dma_start3A_31] : memref<1024x1x22x2048xf32, #tpu.memory_space<hbm>> -> memref<1x1x6x2048xf32, #tpu.memory_space<hbm>>
    %dma_start3A_33 = tpu.memref_squeeze %dma_start3A_32 : memref<1x1x6x2048xf32, #tpu.memory_space<hbm>> -> memref<1x6x2048xf32, #tpu.memory_space<hbm>>
    %dma_start3A_34 = arith.constant 0 : i32
    %dma_start3A_35 = arith.constant 1 : i32
    %dma_start3A_36 = arith.constant 0 : i32
    %dma_start3A_37 = tpu.memref_slice %arg4[%dma_start3A_23, %dma_start3A_34, %dma_start3A_35, %dma_start3A_36] : memref<2x1x19x2048xf32, #tpu.memory_space<vmem>> -> memref<1x1x6x2048xf32, #tpu.memory_space<vmem>>
    %dma_start3A_38 = tpu.memref_squeeze %dma_start3A_37 : memref<1x1x6x2048xf32, #tpu.memory_space<vmem>> -> memref<1x6x2048xf32, #tpu.memory_space<vmem>>
    %dma_start3A_39 = arith.constant 0 : i32
    %dma_start3A_40 = arith.constant 0 : i32
    %dma_start3A_41 = arith.constant 0 : i32
    %dma_start3A_42 = tpu.memref_slice %arg2[%mul3A_2, %dma_start3A_39, %dma_start3A_40, %dma_start3A_41] : memref<1024x1x22x2048xf32, #tpu.memory_space<hbm>> -> memref<1x1x6x2048xf32, #tpu.memory_space<hbm>>
    %dma_start3A_43 = tpu.memref_squeeze %dma_start3A_42 : memref<1x1x6x2048xf32, #tpu.memory_space<hbm>> -> memref<1x6x2048xf32, #tpu.memory_space<hbm>>
    tpu.enqueue_dma source(%dma_start3A_43 : memref<1x6x2048xf32, #tpu.memory_space<hbm>>) target(%dma_start3A_38 : memref<1x6x2048xf32, #tpu.memory_space<vmem>>) target_semaphore(%arg5 : memref<!tpu.dma_semaphore, #tpu.memory_space<semaphore_mem>>)
    %dma_start3A_44 = arith.constant 0 : i32
    %dma_start3A_45 = arith.constant 0 : i32
    %dma_start3A_46 = arith.constant 7 : i32
    %dma_start3A_47 = arith.constant 0 : i32
    %dma_start3A_48 = tpu.memref_slice %arg4[%dma_start3A_44, %dma_start3A_45, %dma_start3A_46, %dma_start3A_47] : memref<2x1x19x2048xf32, #tpu.memory_space<vmem>> -> memref<1x1x2x2048xf32, #tpu.memory_space<vmem>>
    %dma_start3A_49 = tpu.memref_squeeze %dma_start3A_48 : memref<1x1x2x2048xf32, #tpu.memory_space<vmem>> -> memref<1x2x2048xf32, #tpu.memory_space<vmem>>
    %dma_start3A_50 = arith.constant 0 : i32
    %dma_start3A_51 = arith.constant 7 : i32
    %dma_start3A_52 = arith.constant 0 : i32
    %dma_start3A_53 = tpu.memref_slice %arg2[%mul3A_2, %dma_start3A_50, %dma_start3A_51, %dma_start3A_52] : memref<1024x1x22x2048xf32, #tpu.memory_space<hbm>> -> memref<1x1x2x2048xf32, #tpu.memory_space<hbm>>
    %dma_start3A_54 = tpu.memref_squeeze %dma_start3A_53 : memref<1x1x2x2048xf32, #tpu.memory_space<hbm>> -> memref<1x2x2048xf32, #tpu.memory_space<hbm>>
    %dma_start3A_55 = arith.constant 0 : i32
    %dma_start3A_56 = arith.constant 7 : i32
    %dma_start3A_57 = arith.constant 0 : i32
    %dma_start3A_58 = tpu.memref_slice %arg4[%dma_start3A_44, %dma_start3A_55, %dma_start3A_56, %dma_start3A_57] : memref<2x1x19x2048xf32, #tpu.memory_space<vmem>> -> memref<1x1x2x2048xf32, #tpu.memory_space<vmem>>
    %dma_start3A_59 = tpu.memref_squeeze %dma_start3A_58 : memref<1x1x2x2048xf32, #tpu.memory_space<vmem>> -> memref<1x2x2048xf32, #tpu.memory_space<vmem>>
    %dma_start3A_60 = arith.constant 0 : i32
    %dma_start3A_61 = arith.constant 7 : i32
    %dma_start3A_62 = arith.constant 0 : i32
    %dma_start3A_63 = tpu.memref_slice %arg2[%mul3A_2, %dma_start3A_60, %dma_start3A_61, %dma_start3A_62] : memref<1024x1x22x2048xf32, #tpu.memory_space<hbm>> -> memref<1x1x2x2048xf32, #tpu.memory_space<hbm>>
    %dma_start3A_64 = tpu.memref_squeeze %dma_start3A_63 : memref<1x1x2x2048xf32, #tpu.memory_space<hbm>> -> memref<1x2x2048xf32, #tpu.memory_space<hbm>>
    tpu.enqueue_dma source(%dma_start3A_64 : memref<1x2x2048xf32, #tpu.memory_space<hbm>>) target(%dma_start3A_59 : memref<1x2x2048xf32, #tpu.memory_space<vmem>>) target_semaphore(%arg5 : memref<!tpu.dma_semaphore, #tpu.memory_space<semaphore_mem>>)
    %dma_start3A_65 = arith.constant 0 : i32
    %dma_start3A_66 = arith.constant 0 : i32
    %dma_start3A_67 = arith.constant 9 : i32
    %dma_start3A_68 = arith.constant 0 : i32
    %dma_start3A_69 = tpu.memref_slice %arg4[%dma_start3A_65, %dma_start3A_66, %dma_start3A_67, %dma_start3A_68] : memref<2x1x19x2048xf32, #tpu.memory_space<vmem>> -> memref<1x1x2x2048xf32, #tpu.memory_space<vmem>>
    %dma_start3A_70 = tpu.memref_squeeze %dma_start3A_69 : memref<1x1x2x2048xf32, #tpu.memory_space<vmem>> -> memref<1x2x2048xf32, #tpu.memory_space<vmem>>
    %dma_start3A_71 = arith.constant 0 : i32
    %dma_start3A_72 = arith.constant 10 : i32
    %dma_start3A_73 = arith.constant 0 : i32
    %dma_start3A_74 = tpu.memref_slice %arg2[%mul3A_2, %dma_start3A_71, %dma_start3A_72, %dma_start3A_73] : memref<1024x1x22x2048xf32, #tpu.memory_space<hbm>> -> memref<1x1x2x2048xf32, #tpu.memory_space<hbm>>
    %dma_start3A_75 = tpu.memref_squeeze %dma_start3A_74 : memref<1x1x2x2048xf32, #tpu.memory_space<hbm>> -> memref<1x2x2048xf32, #tpu.memory_space<hbm>>
    %dma_start3A_76 = arith.constant 0 : i32
    %dma_start3A_77 = arith.constant 9 : i32
    %dma_start3A_78 = arith.constant 0 : i32
    %dma_start3A_79 = tpu.memref_slice %arg4[%dma_start3A_65, %dma_start3A_76, %dma_start3A_77, %dma_start3A_78] : memref<2x1x19x2048xf32, #tpu.memory_space<vmem>> -> memref<1x1x2x2048xf32, #tpu.memory_space<vmem>>
    %dma_start3A_80 = tpu.memref_squeeze %dma_start3A_79 : memref<1x1x2x2048xf32, #tpu.memory_space<vmem>> -> memref<1x2x2048xf32, #tpu.memory_space<vmem>>
    %dma_start3A_81 = arith.constant 0 : i32
    %dma_start3A_82 = arith.constant 10 : i32
    %dma_start3A_83 = arith.constant 0 : i32
    %dma_start3A_84 = tpu.memref_slice %arg2[%mul3A_2, %dma_start3A_81, %dma_start3A_82, %dma_start3A_83] : memref<1024x1x22x2048xf32, #tpu.memory_space<hbm>> -> memref<1x1x2x2048xf32, #tpu.memory_space<hbm>>
    %dma_start3A_85 = tpu.memref_squeeze %dma_start3A_84 : memref<1x1x2x2048xf32, #tpu.memory_space<hbm>> -> memref<1x2x2048xf32, #tpu.memory_space<hbm>>
    tpu.enqueue_dma source(%dma_start3A_85 : memref<1x2x2048xf32, #tpu.memory_space<hbm>>) target(%dma_start3A_80 : memref<1x2x2048xf32, #tpu.memory_space<vmem>>) target_semaphore(%arg5 : memref<!tpu.dma_semaphore, #tpu.memory_space<semaphore_mem>>)
    %dma_start3A_86 = arith.constant 0 : i32
    %dma_start3A_87 = arith.constant 0 : i32
    %dma_start3A_88 = arith.constant 11 : i32
    %dma_start3A_89 = arith.constant 0 : i32
    %dma_start3A_90 = tpu.memref_slice %arg4[%dma_start3A_86, %dma_start3A_87, %dma_start3A_88, %dma_start3A_89] : memref<2x1x19x2048xf32, #tpu.memory_space<vmem>> -> memref<1x1x8x2048xf32, #tpu.memory_space<vmem>>
    %dma_start3A_91 = tpu.memref_squeeze %dma_start3A_90 : memref<1x1x8x2048xf32, #tpu.memory_space<vmem>> -> memref<1x8x2048xf32, #tpu.memory_space<vmem>>
    %dma_start3A_92 = arith.constant 0 : i32
    %dma_start3A_93 = arith.constant 13 : i32
    %dma_start3A_94 = arith.constant 0 : i32
    %dma_start3A_95 = tpu.memref_slice %arg2[%mul3A_2, %dma_start3A_92, %dma_start3A_93, %dma_start3A_94] : memref<1024x1x22x2048xf32, #tpu.memory_space<hbm>> -> memref<1x1x8x2048xf32, #tpu.memory_space<hbm>>
    %dma_start3A_96 = tpu.memref_squeeze %dma_start3A_95 : memref<1x1x8x2048xf32, #tpu.memory_space<hbm>> -> memref<1x8x2048xf32, #tpu.memory_space<hbm>>
    %dma_start3A_97 = arith.constant 0 : i32
    %dma_start3A_98 = arith.constant 11 : i32
    %dma_start3A_99 = arith.constant 0 : i32
    %dma_start3A_100 = tpu.memref_slice %arg4[%dma_start3A_86, %dma_start3A_97, %dma_start3A_98, %dma_start3A_99] : memref<2x1x19x2048xf32, #tpu.memory_space<vmem>> -> memref<1x1x8x2048xf32, #tpu.memory_space<vmem>>
    %dma_start3A_101 = tpu.memref_squeeze %dma_start3A_100 : memref<1x1x8x2048xf32, #tpu.memory_space<vmem>> -> memref<1x8x2048xf32, #tpu.memory_space<vmem>>
    %dma_start3A_102 = arith.constant 0 : i32
    %dma_start3A_103 = arith.constant 13 : i32
    %dma_start3A_104 = arith.constant 0 : i32
    %dma_start3A_105 = tpu.memref_slice %arg2[%mul3A_2, %dma_start3A_102, %dma_start3A_103, %dma_start3A_104] : memref<1024x1x22x2048xf32, #tpu.memory_space<hbm>> -> memref<1x1x8x2048xf32, #tpu.memory_space<hbm>>
    %dma_start3A_106 = tpu.memref_squeeze %dma_start3A_105 : memref<1x1x8x2048xf32, #tpu.memory_space<hbm>> -> memref<1x8x2048xf32, #tpu.memory_space<hbm>>
    tpu.enqueue_dma source(%dma_start3A_106 : memref<1x8x2048xf32, #tpu.memory_space<hbm>>) target(%dma_start3A_101 : memref<1x8x2048xf32, #tpu.memory_space<vmem>>) target_semaphore(%arg5 : memref<!tpu.dma_semaphore, #tpu.memory_space<semaphore_mem>>)
    %scan3A = arith.constant 0 : i32
    %scan3A_107 = arith.constant 0 : i32
    %scan3A_108 = arith.constant 16 : i32
    %scan3A_109 = arith.addi %scan3A_107, %scan3A_108 : i32
    %scan3A_110 = arith.constant 1 : i32
    %scan3A_111 = scf.for %scan3A_136 = %scan3A_107 to %scan3A_109 step %scan3A_110 iter_args(%scan3A_137 = %scan3A) -> (i32)  : i32 {
      %mul3A_138 = arith.constant 2 : i32
      %mul3A_139 = arith.muli %mul3A_138, %scan3A_136 : i32
      %add3A_140 = arith.addi %mul3A_2, %mul3A_139 : i32
      %ge3A = arith.constant 1 : i32
      %ge3A_141 = arith.cmpi sge, %scan3A_136, %ge3A : i32
      %convert_element_type3A = arith.extui %ge3A_141 : i1 to i32
      %cond3A = arith.constant 0 : i32
      %cond3A_142 = arith.cmpi ne, %convert_element_type3A, %cond3A : i32
      scf.if %cond3A_142 {
        %sub3A_534 = arith.constant 1 : i32
        %sub3A_535 = arith.subi %add3A_140, %sub3A_534 : i32
        %dma_wait3A_536 = arith.constant 1 : i32
        %dma_wait3A_537 = arith.constant 0 : i32
        %dma_wait3A_538 = arith.constant 0 : i32
        %dma_wait3A_539 = arith.constant 0 : i32
        %dma_wait3A_540 = tpu.memref_slice %arg4[%dma_wait3A_536, %dma_wait3A_537, %dma_wait3A_538, %dma_wait3A_539] : memref<2x1x19x2048xf32, #tpu.memory_space<vmem>> -> memref<1x1x19x2048xf32, #tpu.memory_space<vmem>>
        %dma_wait3A_541 = tpu.memref_squeeze %dma_wait3A_540 : memref<1x1x19x2048xf32, #tpu.memory_space<vmem>> -> memref<1x19x2048xf32, #tpu.memory_space<vmem>>
        %dma_wait3A_542 = arith.constant 0 : i32
        %dma_wait3A_543 = arith.constant 0 : i32
        %dma_wait3A_544 = arith.constant 0 : i32
        %dma_wait3A_545 = tpu.memref_slice %arg3[%sub3A_535, %dma_wait3A_542, %dma_wait3A_543, %dma_wait3A_544] : memref<1024x1x19x2048xf32, #tpu.memory_space<hbm>> -> memref<1x1x19x2048xf32, #tpu.memory_space<hbm>>
        %dma_wait3A_546 = tpu.memref_squeeze %dma_wait3A_545 : memref<1x1x19x2048xf32, #tpu.memory_space<hbm>> -> memref<1x19x2048xf32, #tpu.memory_space<hbm>>
        %dma_wait3A_547 = arith.constant 0 : i32
        %dma_wait3A_548 = arith.constant 0 : i32
        %dma_wait3A_549 = arith.constant 0 : i32
        %dma_wait3A_550 = tpu.memref_slice %arg3[%sub3A_535, %dma_wait3A_547, %dma_wait3A_548, %dma_wait3A_549] : memref<1024x1x19x2048xf32, #tpu.memory_space<hbm>> -> memref<1x1x19x2048xf32, #tpu.memory_space<hbm>>
        %dma_wait3A_551 = tpu.memref_squeeze %dma_wait3A_550 : memref<1x1x19x2048xf32, #tpu.memory_space<hbm>> -> memref<1x19x2048xf32, #tpu.memory_space<hbm>>
        %dma_wait3A_552 = arith.constant 0 : i32
        %dma_wait3A_553 = arith.constant 0 : i32
        %dma_wait3A_554 = arith.constant 0 : i32
        %dma_wait3A_555 = tpu.memref_slice %arg4[%dma_wait3A_536, %dma_wait3A_552, %dma_wait3A_553, %dma_wait3A_554] : memref<2x1x19x2048xf32, #tpu.memory_space<vmem>> -> memref<1x1x19x2048xf32, #tpu.memory_space<vmem>>
        %dma_wait3A_556 = tpu.memref_squeeze %dma_wait3A_555 : memref<1x1x19x2048xf32, #tpu.memory_space<vmem>> -> memref<1x19x2048xf32, #tpu.memory_space<vmem>>
        tpu.wait_dma2 semaphore(%arg8 : memref<!tpu.dma_semaphore, #tpu.memory_space<semaphore_mem>>) src(%dma_wait3A_556 : memref<1x19x2048xf32, #tpu.memory_space<vmem>>) dst(%dma_wait3A_551 : memref<1x19x2048xf32, #tpu.memory_space<hbm>>)
      } else {
      }
      %add3A_143 = arith.constant 1 : i32
      %add3A_144 = arith.addi %add3A_140, %add3A_143 : i32
      %dma_start3A_145 = arith.constant 1 : i32
      %dma_start3A_146 = arith.constant 0 : i32
      %dma_start3A_147 = arith.constant 0 : i32
      %dma_start3A_148 = arith.constant 0 : i32
      %dma_start3A_149 = tpu.memref_slice %arg4[%dma_start3A_145, %dma_start3A_146, %dma_start3A_147, %dma_start3A_148] : memref<2x1x19x2048xf32, #tpu.memory_space<vmem>> -> memref<1x1x1x2048xf32, #tpu.memory_space<vmem>>
      %dma_start3A_150 = tpu.memref_squeeze %dma_start3A_149 : memref<1x1x1x2048xf32, #tpu.memory_space<vmem>> -> memref<1x1x2048xf32, #tpu.memory_space<vmem>>
      %dma_start3A_151 = arith.constant 0 : i32
      %dma_start3A_152 = arith.constant 9 : i32
      %dma_start3A_153 = arith.constant 0 : i32
      %dma_start3A_154 = tpu.memref_slice %arg2[%add3A_144, %dma_start3A_151, %dma_start3A_152, %dma_start3A_153] : memref<1024x1x22x2048xf32, #tpu.memory_space<hbm>> -> memref<1x1x1x2048xf32, #tpu.memory_space<hbm>>
      %dma_start3A_155 = tpu.memref_squeeze %dma_start3A_154 : memref<1x1x1x2048xf32, #tpu.memory_space<hbm>> -> memref<1x1x2048xf32, #tpu.memory_space<hbm>>
      %dma_start3A_156 = arith.constant 0 : i32
      %dma_start3A_157 = arith.constant 0 : i32
      %dma_start3A_158 = arith.constant 0 : i32
      %dma_start3A_159 = tpu.memref_slice %arg4[%dma_start3A_145, %dma_start3A_156, %dma_start3A_157, %dma_start3A_158] : memref<2x1x19x2048xf32, #tpu.memory_space<vmem>> -> memref<1x1x1x2048xf32, #tpu.memory_space<vmem>>
      %dma_start3A_160 = tpu.memref_squeeze %dma_start3A_159 : memref<1x1x1x2048xf32, #tpu.memory_space<vmem>> -> memref<1x1x2048xf32, #tpu.memory_space<vmem>>
      %dma_start3A_161 = arith.constant 0 : i32
      %dma_start3A_162 = arith.constant 9 : i32
      %dma_start3A_163 = arith.constant 0 : i32
      %dma_start3A_164 = tpu.memref_slice %arg2[%add3A_144, %dma_start3A_161, %dma_start3A_162, %dma_start3A_163] : memref<1024x1x22x2048xf32, #tpu.memory_space<hbm>> -> memref<1x1x1x2048xf32, #tpu.memory_space<hbm>>
      %dma_start3A_165 = tpu.memref_squeeze %dma_start3A_164 : memref<1x1x1x2048xf32, #tpu.memory_space<hbm>> -> memref<1x1x2048xf32, #tpu.memory_space<hbm>>
      tpu.enqueue_dma source(%dma_start3A_165 : memref<1x1x2048xf32, #tpu.memory_space<hbm>>) target(%dma_start3A_160 : memref<1x1x2048xf32, #tpu.memory_space<vmem>>) target_semaphore(%arg6 : memref<!tpu.dma_semaphore, #tpu.memory_space<semaphore_mem>>)
      %dma_start3A_166 = arith.constant 1 : i32
      %dma_start3A_167 = arith.constant 0 : i32
      %dma_start3A_168 = arith.constant 1 : i32
      %dma_start3A_169 = arith.constant 0 : i32
      %dma_start3A_170 = tpu.memref_slice %arg4[%dma_start3A_166, %dma_start3A_167, %dma_start3A_168, %dma_start3A_169] : memref<2x1x19x2048xf32, #tpu.memory_space<vmem>> -> memref<1x1x6x2048xf32, #tpu.memory_space<vmem>>
      %dma_start3A_171 = tpu.memref_squeeze %dma_start3A_170 : memref<1x1x6x2048xf32, #tpu.memory_space<vmem>> -> memref<1x6x2048xf32, #tpu.memory_space<vmem>>
      %dma_start3A_172 = arith.constant 0 : i32
      %dma_start3A_173 = arith.constant 0 : i32
      %dma_start3A_174 = arith.constant 0 : i32
      %dma_start3A_175 = tpu.memref_slice %arg2[%add3A_144, %dma_start3A_172, %dma_start3A_173, %dma_start3A_174] : memref<1024x1x22x2048xf32, #tpu.memory_space<hbm>> -> memref<1x1x6x2048xf32, #tpu.memory_space<hbm>>
      %dma_start3A_176 = tpu.memref_squeeze %dma_start3A_175 : memref<1x1x6x2048xf32, #tpu.memory_space<hbm>> -> memref<1x6x2048xf32, #tpu.memory_space<hbm>>
      %dma_start3A_177 = arith.constant 0 : i32
      %dma_start3A_178 = arith.constant 1 : i32
      %dma_start3A_179 = arith.constant 0 : i32
      %dma_start3A_180 = tpu.memref_slice %arg4[%dma_start3A_166, %dma_start3A_177, %dma_start3A_178, %dma_start3A_179] : memref<2x1x19x2048xf32, #tpu.memory_space<vmem>> -> memref<1x1x6x2048xf32, #tpu.memory_space<vmem>>
      %dma_start3A_181 = tpu.memref_squeeze %dma_start3A_180 : memref<1x1x6x2048xf32, #tpu.memory_space<vmem>> -> memref<1x6x2048xf32, #tpu.memory_space<vmem>>
      %dma_start3A_182 = arith.constant 0 : i32
      %dma_start3A_183 = arith.constant 0 : i32
      %dma_start3A_184 = arith.constant 0 : i32
      %dma_start3A_185 = tpu.memref_slice %arg2[%add3A_144, %dma_start3A_182, %dma_start3A_183, %dma_start3A_184] : memref<1024x1x22x2048xf32, #tpu.memory_space<hbm>> -> memref<1x1x6x2048xf32, #tpu.memory_space<hbm>>
      %dma_start3A_186 = tpu.memref_squeeze %dma_start3A_185 : memref<1x1x6x2048xf32, #tpu.memory_space<hbm>> -> memref<1x6x2048xf32, #tpu.memory_space<hbm>>
      tpu.enqueue_dma source(%dma_start3A_186 : memref<1x6x2048xf32, #tpu.memory_space<hbm>>) target(%dma_start3A_181 : memref<1x6x2048xf32, #tpu.memory_space<vmem>>) target_semaphore(%arg6 : memref<!tpu.dma_semaphore, #tpu.memory_space<semaphore_mem>>)
      %dma_start3A_187 = arith.constant 1 : i32
      %dma_start3A_188 = arith.constant 0 : i32
      %dma_start3A_189 = arith.constant 7 : i32
      %dma_start3A_190 = arith.constant 0 : i32
      %dma_start3A_191 = tpu.memref_slice %arg4[%dma_start3A_187, %dma_start3A_188, %dma_start3A_189, %dma_start3A_190] : memref<2x1x19x2048xf32, #tpu.memory_space<vmem>> -> memref<1x1x2x2048xf32, #tpu.memory_space<vmem>>
      %dma_start3A_192 = tpu.memref_squeeze %dma_start3A_191 : memref<1x1x2x2048xf32, #tpu.memory_space<vmem>> -> memref<1x2x2048xf32, #tpu.memory_space<vmem>>
      %dma_start3A_193 = arith.constant 0 : i32
      %dma_start3A_194 = arith.constant 7 : i32
      %dma_start3A_195 = arith.constant 0 : i32
      %dma_start3A_196 = tpu.memref_slice %arg2[%add3A_144, %dma_start3A_193, %dma_start3A_194, %dma_start3A_195] : memref<1024x1x22x2048xf32, #tpu.memory_space<hbm>> -> memref<1x1x2x2048xf32, #tpu.memory_space<hbm>>
      %dma_start3A_197 = tpu.memref_squeeze %dma_start3A_196 : memref<1x1x2x2048xf32, #tpu.memory_space<hbm>> -> memref<1x2x2048xf32, #tpu.memory_space<hbm>>
      %dma_start3A_198 = arith.constant 0 : i32
      %dma_start3A_199 = arith.constant 7 : i32
      %dma_start3A_200 = arith.constant 0 : i32
      %dma_start3A_201 = tpu.memref_slice %arg4[%dma_start3A_187, %dma_start3A_198, %dma_start3A_199, %dma_start3A_200] : memref<2x1x19x2048xf32, #tpu.memory_space<vmem>> -> memref<1x1x2x2048xf32, #tpu.memory_space<vmem>>
      %dma_start3A_202 = tpu.memref_squeeze %dma_start3A_201 : memref<1x1x2x2048xf32, #tpu.memory_space<vmem>> -> memref<1x2x2048xf32, #tpu.memory_space<vmem>>
      %dma_start3A_203 = arith.constant 0 : i32
      %dma_start3A_204 = arith.constant 7 : i32
      %dma_start3A_205 = arith.constant 0 : i32
      %dma_start3A_206 = tpu.memref_slice %arg2[%add3A_144, %dma_start3A_203, %dma_start3A_204, %dma_start3A_205] : memref<1024x1x22x2048xf32, #tpu.memory_space<hbm>> -> memref<1x1x2x2048xf32, #tpu.memory_space<hbm>>
      %dma_start3A_207 = tpu.memref_squeeze %dma_start3A_206 : memref<1x1x2x2048xf32, #tpu.memory_space<hbm>> -> memref<1x2x2048xf32, #tpu.memory_space<hbm>>
      tpu.enqueue_dma source(%dma_start3A_207 : memref<1x2x2048xf32, #tpu.memory_space<hbm>>) target(%dma_start3A_202 : memref<1x2x2048xf32, #tpu.memory_space<vmem>>) target_semaphore(%arg6 : memref<!tpu.dma_semaphore, #tpu.memory_space<semaphore_mem>>)
      %dma_start3A_208 = arith.constant 1 : i32
      %dma_start3A_209 = arith.constant 0 : i32
      %dma_start3A_210 = arith.constant 9 : i32
      %dma_start3A_211 = arith.constant 0 : i32
      %dma_start3A_212 = tpu.memref_slice %arg4[%dma_start3A_208, %dma_start3A_209, %dma_start3A_210, %dma_start3A_211] : memref<2x1x19x2048xf32, #tpu.memory_space<vmem>> -> memref<1x1x2x2048xf32, #tpu.memory_space<vmem>>
      %dma_start3A_213 = tpu.memref_squeeze %dma_start3A_212 : memref<1x1x2x2048xf32, #tpu.memory_space<vmem>> -> memref<1x2x2048xf32, #tpu.memory_space<vmem>>
      %dma_start3A_214 = arith.constant 0 : i32
      %dma_start3A_215 = arith.constant 10 : i32
      %dma_start3A_216 = arith.constant 0 : i32
      %dma_start3A_217 = tpu.memref_slice %arg2[%add3A_144, %dma_start3A_214, %dma_start3A_215, %dma_start3A_216] : memref<1024x1x22x2048xf32, #tpu.memory_space<hbm>> -> memref<1x1x2x2048xf32, #tpu.memory_space<hbm>>
      %dma_start3A_218 = tpu.memref_squeeze %dma_start3A_217 : memref<1x1x2x2048xf32, #tpu.memory_space<hbm>> -> memref<1x2x2048xf32, #tpu.memory_space<hbm>>
      %dma_start3A_219 = arith.constant 0 : i32
      %dma_start3A_220 = arith.constant 9 : i32
      %dma_start3A_221 = arith.constant 0 : i32
      %dma_start3A_222 = tpu.memref_slice %arg4[%dma_start3A_208, %dma_start3A_219, %dma_start3A_220, %dma_start3A_221] : memref<2x1x19x2048xf32, #tpu.memory_space<vmem>> -> memref<1x1x2x2048xf32, #tpu.memory_space<vmem>>
      %dma_start3A_223 = tpu.memref_squeeze %dma_start3A_222 : memref<1x1x2x2048xf32, #tpu.memory_space<vmem>> -> memref<1x2x2048xf32, #tpu.memory_space<vmem>>
      %dma_start3A_224 = arith.constant 0 : i32
      %dma_start3A_225 = arith.constant 10 : i32
      %dma_start3A_226 = arith.constant 0 : i32
      %dma_start3A_227 = tpu.memref_slice %arg2[%add3A_144, %dma_start3A_224, %dma_start3A_225, %dma_start3A_226] : memref<1024x1x22x2048xf32, #tpu.memory_space<hbm>> -> memref<1x1x2x2048xf32, #tpu.memory_space<hbm>>
      %dma_start3A_228 = tpu.memref_squeeze %dma_start3A_227 : memref<1x1x2x2048xf32, #tpu.memory_space<hbm>> -> memref<1x2x2048xf32, #tpu.memory_space<hbm>>
      tpu.enqueue_dma source(%dma_start3A_228 : memref<1x2x2048xf32, #tpu.memory_space<hbm>>) target(%dma_start3A_223 : memref<1x2x2048xf32, #tpu.memory_space<vmem>>) target_semaphore(%arg6 : memref<!tpu.dma_semaphore, #tpu.memory_space<semaphore_mem>>)
      %dma_start3A_229 = arith.constant 1 : i32
      %dma_start3A_230 = arith.constant 0 : i32
      %dma_start3A_231 = arith.constant 11 : i32
      %dma_start3A_232 = arith.constant 0 : i32
      %dma_start3A_233 = tpu.memref_slice %arg4[%dma_start3A_229, %dma_start3A_230, %dma_start3A_231, %dma_start3A_232] : memref<2x1x19x2048xf32, #tpu.memory_space<vmem>> -> memref<1x1x8x2048xf32, #tpu.memory_space<vmem>>
      %dma_start3A_234 = tpu.memref_squeeze %dma_start3A_233 : memref<1x1x8x2048xf32, #tpu.memory_space<vmem>> -> memref<1x8x2048xf32, #tpu.memory_space<vmem>>
      %dma_start3A_235 = arith.constant 0 : i32
      %dma_start3A_236 = arith.constant 13 : i32
      %dma_start3A_237 = arith.constant 0 : i32
      %dma_start3A_238 = tpu.memref_slice %arg2[%add3A_144, %dma_start3A_235, %dma_start3A_236, %dma_start3A_237] : memref<1024x1x22x2048xf32, #tpu.memory_space<hbm>> -> memref<1x1x8x2048xf32, #tpu.memory_space<hbm>>
      %dma_start3A_239 = tpu.memref_squeeze %dma_start3A_238 : memref<1x1x8x2048xf32, #tpu.memory_space<hbm>> -> memref<1x8x2048xf32, #tpu.memory_space<hbm>>
      %dma_start3A_240 = arith.constant 0 : i32
      %dma_start3A_241 = arith.constant 11 : i32
      %dma_start3A_242 = arith.constant 0 : i32
      %dma_start3A_243 = tpu.memref_slice %arg4[%dma_start3A_229, %dma_start3A_240, %dma_start3A_241, %dma_start3A_242] : memref<2x1x19x2048xf32, #tpu.memory_space<vmem>> -> memref<1x1x8x2048xf32, #tpu.memory_space<vmem>>
      %dma_start3A_244 = tpu.memref_squeeze %dma_start3A_243 : memref<1x1x8x2048xf32, #tpu.memory_space<vmem>> -> memref<1x8x2048xf32, #tpu.memory_space<vmem>>
      %dma_start3A_245 = arith.constant 0 : i32
      %dma_start3A_246 = arith.constant 13 : i32
      %dma_start3A_247 = arith.constant 0 : i32
      %dma_start3A_248 = tpu.memref_slice %arg2[%add3A_144, %dma_start3A_245, %dma_start3A_246, %dma_start3A_247] : memref<1024x1x22x2048xf32, #tpu.memory_space<hbm>> -> memref<1x1x8x2048xf32, #tpu.memory_space<hbm>>
      %dma_start3A_249 = tpu.memref_squeeze %dma_start3A_248 : memref<1x1x8x2048xf32, #tpu.memory_space<hbm>> -> memref<1x8x2048xf32, #tpu.memory_space<hbm>>
      tpu.enqueue_dma source(%dma_start3A_249 : memref<1x8x2048xf32, #tpu.memory_space<hbm>>) target(%dma_start3A_244 : memref<1x8x2048xf32, #tpu.memory_space<vmem>>) target_semaphore(%arg6 : memref<!tpu.dma_semaphore, #tpu.memory_space<semaphore_mem>>)
      %dma_wait3A_250 = arith.constant 0 : i32
      %dma_wait3A_251 = arith.constant 0 : i32
      %dma_wait3A_252 = arith.constant 0 : i32
      %dma_wait3A_253 = arith.constant 0 : i32
      %dma_wait3A_254 = tpu.memref_slice %arg4[%dma_wait3A_250, %dma_wait3A_251, %dma_wait3A_252, %dma_wait3A_253] : memref<2x1x19x2048xf32, #tpu.memory_space<vmem>> -> memref<1x1x1x2048xf32, #tpu.memory_space<vmem>>
      %dma_wait3A_255 = tpu.memref_squeeze %dma_wait3A_254 : memref<1x1x1x2048xf32, #tpu.memory_space<vmem>> -> memref<1x1x2048xf32, #tpu.memory_space<vmem>>
      %dma_wait3A_256 = arith.constant 0 : i32
      %dma_wait3A_257 = arith.constant 9 : i32
      %dma_wait3A_258 = arith.constant 0 : i32
      %dma_wait3A_259 = tpu.memref_slice %arg2[%add3A_140, %dma_wait3A_256, %dma_wait3A_257, %dma_wait3A_258] : memref<1024x1x22x2048xf32, #tpu.memory_space<hbm>> -> memref<1x1x1x2048xf32, #tpu.memory_space<hbm>>
      %dma_wait3A_260 = tpu.memref_squeeze %dma_wait3A_259 : memref<1x1x1x2048xf32, #tpu.memory_space<hbm>> -> memref<1x1x2048xf32, #tpu.memory_space<hbm>>
      %dma_wait3A_261 = arith.constant 0 : i32
      %dma_wait3A_262 = arith.constant 0 : i32
      %dma_wait3A_263 = arith.constant 0 : i32
      %dma_wait3A_264 = tpu.memref_slice %arg4[%dma_wait3A_250, %dma_wait3A_261, %dma_wait3A_262, %dma_wait3A_263] : memref<2x1x19x2048xf32, #tpu.memory_space<vmem>> -> memref<1x1x1x2048xf32, #tpu.memory_space<vmem>>
      %dma_wait3A_265 = tpu.memref_squeeze %dma_wait3A_264 : memref<1x1x1x2048xf32, #tpu.memory_space<vmem>> -> memref<1x1x2048xf32, #tpu.memory_space<vmem>>
      %dma_wait3A_266 = arith.constant 0 : i32
      %dma_wait3A_267 = arith.constant 9 : i32
      %dma_wait3A_268 = arith.constant 0 : i32
      %dma_wait3A_269 = tpu.memref_slice %arg2[%add3A_140, %dma_wait3A_266, %dma_wait3A_267, %dma_wait3A_268] : memref<1024x1x22x2048xf32, #tpu.memory_space<hbm>> -> memref<1x1x1x2048xf32, #tpu.memory_space<hbm>>
      %dma_wait3A_270 = tpu.memref_squeeze %dma_wait3A_269 : memref<1x1x1x2048xf32, #tpu.memory_space<hbm>> -> memref<1x1x2048xf32, #tpu.memory_space<hbm>>
      tpu.wait_dma2 semaphore(%arg5 : memref<!tpu.dma_semaphore, #tpu.memory_space<semaphore_mem>>) src(%dma_wait3A_270 : memref<1x1x2048xf32, #tpu.memory_space<hbm>>) dst(%dma_wait3A_265 : memref<1x1x2048xf32, #tpu.memory_space<vmem>>)
      %dma_wait3A_271 = arith.constant 0 : i32
      %dma_wait3A_272 = arith.constant 0 : i32
      %dma_wait3A_273 = arith.constant 1 : i32
      %dma_wait3A_274 = arith.constant 0 : i32
      %dma_wait3A_275 = tpu.memref_slice %arg4[%dma_wait3A_271, %dma_wait3A_272, %dma_wait3A_273, %dma_wait3A_274] : memref<2x1x19x2048xf32, #tpu.memory_space<vmem>> -> memref<1x1x6x2048xf32, #tpu.memory_space<vmem>>
      %dma_wait3A_276 = tpu.memref_squeeze %dma_wait3A_275 : memref<1x1x6x2048xf32, #tpu.memory_space<vmem>> -> memref<1x6x2048xf32, #tpu.memory_space<vmem>>
      %dma_wait3A_277 = arith.constant 0 : i32
      %dma_wait3A_278 = arith.constant 0 : i32
      %dma_wait3A_279 = arith.constant 0 : i32
      %dma_wait3A_280 = tpu.memref_slice %arg2[%add3A_140, %dma_wait3A_277, %dma_wait3A_278, %dma_wait3A_279] : memref<1024x1x22x2048xf32, #tpu.memory_space<hbm>> -> memref<1x1x6x2048xf32, #tpu.memory_space<hbm>>
      %dma_wait3A_281 = tpu.memref_squeeze %dma_wait3A_280 : memref<1x1x6x2048xf32, #tpu.memory_space<hbm>> -> memref<1x6x2048xf32, #tpu.memory_space<hbm>>
      %dma_wait3A_282 = arith.constant 0 : i32
      %dma_wait3A_283 = arith.constant 1 : i32
      %dma_wait3A_284 = arith.constant 0 : i32
      %dma_wait3A_285 = tpu.memref_slice %arg4[%dma_wait3A_271, %dma_wait3A_282, %dma_wait3A_283, %dma_wait3A_284] : memref<2x1x19x2048xf32, #tpu.memory_space<vmem>> -> memref<1x1x6x2048xf32, #tpu.memory_space<vmem>>
      %dma_wait3A_286 = tpu.memref_squeeze %dma_wait3A_285 : memref<1x1x6x2048xf32, #tpu.memory_space<vmem>> -> memref<1x6x2048xf32, #tpu.memory_space<vmem>>
      %dma_wait3A_287 = arith.constant 0 : i32
      %dma_wait3A_288 = arith.constant 0 : i32
      %dma_wait3A_289 = arith.constant 0 : i32
      %dma_wait3A_290 = tpu.memref_slice %arg2[%add3A_140, %dma_wait3A_287, %dma_wait3A_288, %dma_wait3A_289] : memref<1024x1x22x2048xf32, #tpu.memory_space<hbm>> -> memref<1x1x6x2048xf32, #tpu.memory_space<hbm>>
      %dma_wait3A_291 = tpu.memref_squeeze %dma_wait3A_290 : memref<1x1x6x2048xf32, #tpu.memory_space<hbm>> -> memref<1x6x2048xf32, #tpu.memory_space<hbm>>
      tpu.wait_dma2 semaphore(%arg5 : memref<!tpu.dma_semaphore, #tpu.memory_space<semaphore_mem>>) src(%dma_wait3A_291 : memref<1x6x2048xf32, #tpu.memory_space<hbm>>) dst(%dma_wait3A_286 : memref<1x6x2048xf32, #tpu.memory_space<vmem>>)
      %dma_wait3A_292 = arith.constant 0 : i32
      %dma_wait3A_293 = arith.constant 0 : i32
      %dma_wait3A_294 = arith.constant 7 : i32
      %dma_wait3A_295 = arith.constant 0 : i32
      %dma_wait3A_296 = tpu.memref_slice %arg4[%dma_wait3A_292, %dma_wait3A_293, %dma_wait3A_294, %dma_wait3A_295] : memref<2x1x19x2048xf32, #tpu.memory_space<vmem>> -> memref<1x1x2x2048xf32, #tpu.memory_space<vmem>>
      %dma_wait3A_297 = tpu.memref_squeeze %dma_wait3A_296 : memref<1x1x2x2048xf32, #tpu.memory_space<vmem>> -> memref<1x2x2048xf32, #tpu.memory_space<vmem>>
      %dma_wait3A_298 = arith.constant 0 : i32
      %dma_wait3A_299 = arith.constant 7 : i32
      %dma_wait3A_300 = arith.constant 0 : i32
      %dma_wait3A_301 = tpu.memref_slice %arg2[%add3A_140, %dma_wait3A_298, %dma_wait3A_299, %dma_wait3A_300] : memref<1024x1x22x2048xf32, #tpu.memory_space<hbm>> -> memref<1x1x2x2048xf32, #tpu.memory_space<hbm>>
      %dma_wait3A_302 = tpu.memref_squeeze %dma_wait3A_301 : memref<1x1x2x2048xf32, #tpu.memory_space<hbm>> -> memref<1x2x2048xf32, #tpu.memory_space<hbm>>
      %dma_wait3A_303 = arith.constant 0 : i32
      %dma_wait3A_304 = arith.constant 7 : i32
      %dma_wait3A_305 = arith.constant 0 : i32
      %dma_wait3A_306 = tpu.memref_slice %arg4[%dma_wait3A_292, %dma_wait3A_303, %dma_wait3A_304, %dma_wait3A_305] : memref<2x1x19x2048xf32, #tpu.memory_space<vmem>> -> memref<1x1x2x2048xf32, #tpu.memory_space<vmem>>
      %dma_wait3A_307 = tpu.memref_squeeze %dma_wait3A_306 : memref<1x1x2x2048xf32, #tpu.memory_space<vmem>> -> memref<1x2x2048xf32, #tpu.memory_space<vmem>>
      %dma_wait3A_308 = arith.constant 0 : i32
      %dma_wait3A_309 = arith.constant 7 : i32
      %dma_wait3A_310 = arith.constant 0 : i32
      %dma_wait3A_311 = tpu.memref_slice %arg2[%add3A_140, %dma_wait3A_308, %dma_wait3A_309, %dma_wait3A_310] : memref<1024x1x22x2048xf32, #tpu.memory_space<hbm>> -> memref<1x1x2x2048xf32, #tpu.memory_space<hbm>>
      %dma_wait3A_312 = tpu.memref_squeeze %dma_wait3A_311 : memref<1x1x2x2048xf32, #tpu.memory_space<hbm>> -> memref<1x2x2048xf32, #tpu.memory_space<hbm>>
      tpu.wait_dma2 semaphore(%arg5 : memref<!tpu.dma_semaphore, #tpu.memory_space<semaphore_mem>>) src(%dma_wait3A_312 : memref<1x2x2048xf32, #tpu.memory_space<hbm>>) dst(%dma_wait3A_307 : memref<1x2x2048xf32, #tpu.memory_space<vmem>>)
      %dma_wait3A_313 = arith.constant 0 : i32
      %dma_wait3A_314 = arith.constant 0 : i32
      %dma_wait3A_315 = arith.constant 9 : i32
      %dma_wait3A_316 = arith.constant 0 : i32
      %dma_wait3A_317 = tpu.memref_slice %arg4[%dma_wait3A_313, %dma_wait3A_314, %dma_wait3A_315, %dma_wait3A_316] : memref<2x1x19x2048xf32, #tpu.memory_space<vmem>> -> memref<1x1x2x2048xf32, #tpu.memory_space<vmem>>
      %dma_wait3A_318 = tpu.memref_squeeze %dma_wait3A_317 : memref<1x1x2x2048xf32, #tpu.memory_space<vmem>> -> memref<1x2x2048xf32, #tpu.memory_space<vmem>>
      %dma_wait3A_319 = arith.constant 0 : i32
      %dma_wait3A_320 = arith.constant 10 : i32
      %dma_wait3A_321 = arith.constant 0 : i32
      %dma_wait3A_322 = tpu.memref_slice %arg2[%add3A_140, %dma_wait3A_319, %dma_wait3A_320, %dma_wait3A_321] : memref<1024x1x22x2048xf32, #tpu.memory_space<hbm>> -> memref<1x1x2x2048xf32, #tpu.memory_space<hbm>>
      %dma_wait3A_323 = tpu.memref_squeeze %dma_wait3A_322 : memref<1x1x2x2048xf32, #tpu.memory_space<hbm>> -> memref<1x2x2048xf32, #tpu.memory_space<hbm>>
      %dma_wait3A_324 = arith.constant 0 : i32
      %dma_wait3A_325 = arith.constant 9 : i32
      %dma_wait3A_326 = arith.constant 0 : i32
      %dma_wait3A_327 = tpu.memref_slice %arg4[%dma_wait3A_313, %dma_wait3A_324, %dma_wait3A_325, %dma_wait3A_326] : memref<2x1x19x2048xf32, #tpu.memory_space<vmem>> -> memref<1x1x2x2048xf32, #tpu.memory_space<vmem>>
      %dma_wait3A_328 = tpu.memref_squeeze %dma_wait3A_327 : memref<1x1x2x2048xf32, #tpu.memory_space<vmem>> -> memref<1x2x2048xf32, #tpu.memory_space<vmem>>
      %dma_wait3A_329 = arith.constant 0 : i32
      %dma_wait3A_330 = arith.constant 10 : i32
      %dma_wait3A_331 = arith.constant 0 : i32
      %dma_wait3A_332 = tpu.memref_slice %arg2[%add3A_140, %dma_wait3A_329, %dma_wait3A_330, %dma_wait3A_331] : memref<1024x1x22x2048xf32, #tpu.memory_space<hbm>> -> memref<1x1x2x2048xf32, #tpu.memory_space<hbm>>
      %dma_wait3A_333 = tpu.memref_squeeze %dma_wait3A_332 : memref<1x1x2x2048xf32, #tpu.memory_space<hbm>> -> memref<1x2x2048xf32, #tpu.memory_space<hbm>>
      tpu.wait_dma2 semaphore(%arg5 : memref<!tpu.dma_semaphore, #tpu.memory_space<semaphore_mem>>) src(%dma_wait3A_333 : memref<1x2x2048xf32, #tpu.memory_space<hbm>>) dst(%dma_wait3A_328 : memref<1x2x2048xf32, #tpu.memory_space<vmem>>)
      %dma_wait3A_334 = arith.constant 0 : i32
      %dma_wait3A_335 = arith.constant 0 : i32
      %dma_wait3A_336 = arith.constant 11 : i32
      %dma_wait3A_337 = arith.constant 0 : i32
      %dma_wait3A_338 = tpu.memref_slice %arg4[%dma_wait3A_334, %dma_wait3A_335, %dma_wait3A_336, %dma_wait3A_337] : memref<2x1x19x2048xf32, #tpu.memory_space<vmem>> -> memref<1x1x8x2048xf32, #tpu.memory_space<vmem>>
      %dma_wait3A_339 = tpu.memref_squeeze %dma_wait3A_338 : memref<1x1x8x2048xf32, #tpu.memory_space<vmem>> -> memref<1x8x2048xf32, #tpu.memory_space<vmem>>
      %dma_wait3A_340 = arith.constant 0 : i32
      %dma_wait3A_341 = arith.constant 13 : i32
      %dma_wait3A_342 = arith.constant 0 : i32
      %dma_wait3A_343 = tpu.memref_slice %arg2[%add3A_140, %dma_wait3A_340, %dma_wait3A_341, %dma_wait3A_342] : memref<1024x1x22x2048xf32, #tpu.memory_space<hbm>> -> memref<1x1x8x2048xf32, #tpu.memory_space<hbm>>
      %dma_wait3A_344 = tpu.memref_squeeze %dma_wait3A_343 : memref<1x1x8x2048xf32, #tpu.memory_space<hbm>> -> memref<1x8x2048xf32, #tpu.memory_space<hbm>>
      %dma_wait3A_345 = arith.constant 0 : i32
      %dma_wait3A_346 = arith.constant 11 : i32
      %dma_wait3A_347 = arith.constant 0 : i32
      %dma_wait3A_348 = tpu.memref_slice %arg4[%dma_wait3A_334, %dma_wait3A_345, %dma_wait3A_346, %dma_wait3A_347] : memref<2x1x19x2048xf32, #tpu.memory_space<vmem>> -> memref<1x1x8x2048xf32, #tpu.memory_space<vmem>>
      %dma_wait3A_349 = tpu.memref_squeeze %dma_wait3A_348 : memref<1x1x8x2048xf32, #tpu.memory_space<vmem>> -> memref<1x8x2048xf32, #tpu.memory_space<vmem>>
      %dma_wait3A_350 = arith.constant 0 : i32
      %dma_wait3A_351 = arith.constant 13 : i32
      %dma_wait3A_352 = arith.constant 0 : i32
      %dma_wait3A_353 = tpu.memref_slice %arg2[%add3A_140, %dma_wait3A_350, %dma_wait3A_351, %dma_wait3A_352] : memref<1024x1x22x2048xf32, #tpu.memory_space<hbm>> -> memref<1x1x8x2048xf32, #tpu.memory_space<hbm>>
      %dma_wait3A_354 = tpu.memref_squeeze %dma_wait3A_353 : memref<1x1x8x2048xf32, #tpu.memory_space<hbm>> -> memref<1x8x2048xf32, #tpu.memory_space<hbm>>
      tpu.wait_dma2 semaphore(%arg5 : memref<!tpu.dma_semaphore, #tpu.memory_space<semaphore_mem>>) src(%dma_wait3A_354 : memref<1x8x2048xf32, #tpu.memory_space<hbm>>) dst(%dma_wait3A_349 : memref<1x8x2048xf32, #tpu.memory_space<vmem>>)
      %dma_start3A_355 = arith.constant 0 : i32
      %dma_start3A_356 = arith.constant 0 : i32
      %dma_start3A_357 = arith.constant 0 : i32
      %dma_start3A_358 = arith.constant 0 : i32
      %dma_start3A_359 = tpu.memref_slice %arg4[%dma_start3A_355, %dma_start3A_356, %dma_start3A_357, %dma_start3A_358] : memref<2x1x19x2048xf32, #tpu.memory_space<vmem>> -> memref<1x1x19x2048xf32, #tpu.memory_space<vmem>>
      %dma_start3A_360 = tpu.memref_squeeze %dma_start3A_359 : memref<1x1x19x2048xf32, #tpu.memory_space<vmem>> -> memref<1x19x2048xf32, #tpu.memory_space<vmem>>
      %dma_start3A_361 = arith.constant 0 : i32
      %dma_start3A_362 = arith.constant 0 : i32
      %dma_start3A_363 = arith.constant 0 : i32
      %dma_start3A_364 = tpu.memref_slice %arg3[%add3A_140, %dma_start3A_361, %dma_start3A_362, %dma_start3A_363] : memref<1024x1x19x2048xf32, #tpu.memory_space<hbm>> -> memref<1x1x19x2048xf32, #tpu.memory_space<hbm>>
      %dma_start3A_365 = tpu.memref_squeeze %dma_start3A_364 : memref<1x1x19x2048xf32, #tpu.memory_space<hbm>> -> memref<1x19x2048xf32, #tpu.memory_space<hbm>>
      %dma_start3A_366 = arith.constant 0 : i32
      %dma_start3A_367 = arith.constant 0 : i32
      %dma_start3A_368 = arith.constant 0 : i32
      %dma_start3A_369 = tpu.memref_slice %arg3[%add3A_140, %dma_start3A_366, %dma_start3A_367, %dma_start3A_368] : memref<1024x1x19x2048xf32, #tpu.memory_space<hbm>> -> memref<1x1x19x2048xf32, #tpu.memory_space<hbm>>
      %dma_start3A_370 = tpu.memref_squeeze %dma_start3A_369 : memref<1x1x19x2048xf32, #tpu.memory_space<hbm>> -> memref<1x19x2048xf32, #tpu.memory_space<hbm>>
      %dma_start3A_371 = arith.constant 0 : i32
      %dma_start3A_372 = arith.constant 0 : i32
      %dma_start3A_373 = arith.constant 0 : i32
      %dma_start3A_374 = tpu.memref_slice %arg4[%dma_start3A_355, %dma_start3A_371, %dma_start3A_372, %dma_start3A_373] : memref<2x1x19x2048xf32, #tpu.memory_space<vmem>> -> memref<1x1x19x2048xf32, #tpu.memory_space<vmem>>
      %dma_start3A_375 = tpu.memref_squeeze %dma_start3A_374 : memref<1x1x19x2048xf32, #tpu.memory_space<vmem>> -> memref<1x19x2048xf32, #tpu.memory_space<vmem>>
      tpu.enqueue_dma source(%dma_start3A_375 : memref<1x19x2048xf32, #tpu.memory_space<vmem>>) target(%dma_start3A_370 : memref<1x19x2048xf32, #tpu.memory_space<hbm>>) target_semaphore(%arg7 : memref<!tpu.dma_semaphore, #tpu.memory_space<semaphore_mem>>)
      %dma_wait3A_376 = arith.constant 0 : i32
      %dma_wait3A_377 = arith.constant 0 : i32
      %dma_wait3A_378 = arith.constant 0 : i32
      %dma_wait3A_379 = arith.constant 0 : i32
      %dma_wait3A_380 = tpu.memref_slice %arg4[%dma_wait3A_376, %dma_wait3A_377, %dma_wait3A_378, %dma_wait3A_379] : memref<2x1x19x2048xf32, #tpu.memory_space<vmem>> -> memref<1x1x19x2048xf32, #tpu.memory_space<vmem>>
      %dma_wait3A_381 = tpu.memref_squeeze %dma_wait3A_380 : memref<1x1x19x2048xf32, #tpu.memory_space<vmem>> -> memref<1x19x2048xf32, #tpu.memory_space<vmem>>
      %dma_wait3A_382 = arith.constant 0 : i32
      %dma_wait3A_383 = arith.constant 0 : i32
      %dma_wait3A_384 = arith.constant 0 : i32
      %dma_wait3A_385 = tpu.memref_slice %arg3[%add3A_140, %dma_wait3A_382, %dma_wait3A_383, %dma_wait3A_384] : memref<1024x1x19x2048xf32, #tpu.memory_space<hbm>> -> memref<1x1x19x2048xf32, #tpu.memory_space<hbm>>
      %dma_wait3A_386 = tpu.memref_squeeze %dma_wait3A_385 : memref<1x1x19x2048xf32, #tpu.memory_space<hbm>> -> memref<1x19x2048xf32, #tpu.memory_space<hbm>>
      %dma_wait3A_387 = arith.constant 0 : i32
      %dma_wait3A_388 = arith.constant 0 : i32
      %dma_wait3A_389 = arith.constant 0 : i32
      %dma_wait3A_390 = tpu.memref_slice %arg3[%add3A_140, %dma_wait3A_387, %dma_wait3A_388, %dma_wait3A_389] : memref<1024x1x19x2048xf32, #tpu.memory_space<hbm>> -> memref<1x1x19x2048xf32, #tpu.memory_space<hbm>>
      %dma_wait3A_391 = tpu.memref_squeeze %dma_wait3A_390 : memref<1x1x19x2048xf32, #tpu.memory_space<hbm>> -> memref<1x19x2048xf32, #tpu.memory_space<hbm>>
      %dma_wait3A_392 = arith.constant 0 : i32
      %dma_wait3A_393 = arith.constant 0 : i32
      %dma_wait3A_394 = arith.constant 0 : i32
      %dma_wait3A_395 = tpu.memref_slice %arg4[%dma_wait3A_376, %dma_wait3A_392, %dma_wait3A_393, %dma_wait3A_394] : memref<2x1x19x2048xf32, #tpu.memory_space<vmem>> -> memref<1x1x19x2048xf32, #tpu.memory_space<vmem>>
      %dma_wait3A_396 = tpu.memref_squeeze %dma_wait3A_395 : memref<1x1x19x2048xf32, #tpu.memory_space<vmem>> -> memref<1x19x2048xf32, #tpu.memory_space<vmem>>
      tpu.wait_dma2 semaphore(%arg7 : memref<!tpu.dma_semaphore, #tpu.memory_space<semaphore_mem>>) src(%dma_wait3A_396 : memref<1x19x2048xf32, #tpu.memory_space<vmem>>) dst(%dma_wait3A_391 : memref<1x19x2048xf32, #tpu.memory_space<hbm>>)
      %add3A_397 = arith.constant 1 : i32
      %add3A_398 = arith.addi %scan3A_136, %add3A_397 : i32
      %lt3A = arith.constant 16 : i32
      %lt3A_399 = arith.cmpi slt, %add3A_398, %lt3A : i32
      %convert_element_type3A_400 = arith.extui %lt3A_399 : i1 to i32
      %cond3A_401 = arith.constant 0 : i32
      %cond3A_402 = arith.cmpi ne, %convert_element_type3A_400, %cond3A_401 : i32
      scf.if %cond3A_402 {
        %add3A_534 = arith.constant 2 : i32
        %add3A_535 = arith.addi %add3A_140, %add3A_534 : i32
        %dma_start3A_536 = arith.constant 0 : i32
        %dma_start3A_537 = arith.constant 0 : i32
        %dma_start3A_538 = arith.constant 0 : i32
        %dma_start3A_539 = arith.constant 0 : i32
        %dma_start3A_540 = tpu.memref_slice %arg4[%dma_start3A_536, %dma_start3A_537, %dma_start3A_538, %dma_start3A_539] : memref<2x1x19x2048xf32, #tpu.memory_space<vmem>> -> memref<1x1x1x2048xf32, #tpu.memory_space<vmem>>
        %dma_start3A_541 = tpu.memref_squeeze %dma_start3A_540 : memref<1x1x1x2048xf32, #tpu.memory_space<vmem>> -> memref<1x1x2048xf32, #tpu.memory_space<vmem>>
        %dma_start3A_542 = arith.constant 0 : i32
        %dma_start3A_543 = arith.constant 9 : i32
        %dma_start3A_544 = arith.constant 0 : i32
        %dma_start3A_545 = tpu.memref_slice %arg2[%add3A_535, %dma_start3A_542, %dma_start3A_543, %dma_start3A_544] : memref<1024x1x22x2048xf32, #tpu.memory_space<hbm>> -> memref<1x1x1x2048xf32, #tpu.memory_space<hbm>>
        %dma_start3A_546 = tpu.memref_squeeze %dma_start3A_545 : memref<1x1x1x2048xf32, #tpu.memory_space<hbm>> -> memref<1x1x2048xf32, #tpu.memory_space<hbm>>
        %dma_start3A_547 = arith.constant 0 : i32
        %dma_start3A_548 = arith.constant 0 : i32
        %dma_start3A_549 = arith.constant 0 : i32
        %dma_start3A_550 = tpu.memref_slice %arg4[%dma_start3A_536, %dma_start3A_547, %dma_start3A_548, %dma_start3A_549] : memref<2x1x19x2048xf32, #tpu.memory_space<vmem>> -> memref<1x1x1x2048xf32, #tpu.memory_space<vmem>>
        %dma_start3A_551 = tpu.memref_squeeze %dma_start3A_550 : memref<1x1x1x2048xf32, #tpu.memory_space<vmem>> -> memref<1x1x2048xf32, #tpu.memory_space<vmem>>
        %dma_start3A_552 = arith.constant 0 : i32
        %dma_start3A_553 = arith.constant 9 : i32
        %dma_start3A_554 = arith.constant 0 : i32
        %dma_start3A_555 = tpu.memref_slice %arg2[%add3A_535, %dma_start3A_552, %dma_start3A_553, %dma_start3A_554] : memref<1024x1x22x2048xf32, #tpu.memory_space<hbm>> -> memref<1x1x1x2048xf32, #tpu.memory_space<hbm>>
        %dma_start3A_556 = tpu.memref_squeeze %dma_start3A_555 : memref<1x1x1x2048xf32, #tpu.memory_space<hbm>> -> memref<1x1x2048xf32, #tpu.memory_space<hbm>>
        tpu.enqueue_dma source(%dma_start3A_556 : memref<1x1x2048xf32, #tpu.memory_space<hbm>>) target(%dma_start3A_551 : memref<1x1x2048xf32, #tpu.memory_space<vmem>>) target_semaphore(%arg5 : memref<!tpu.dma_semaphore, #tpu.memory_space<semaphore_mem>>)
        %dma_start3A_557 = arith.constant 0 : i32
        %dma_start3A_558 = arith.constant 0 : i32
        %dma_start3A_559 = arith.constant 1 : i32
        %dma_start3A_560 = arith.constant 0 : i32
        %dma_start3A_561 = tpu.memref_slice %arg4[%dma_start3A_557, %dma_start3A_558, %dma_start3A_559, %dma_start3A_560] : memref<2x1x19x2048xf32, #tpu.memory_space<vmem>> -> memref<1x1x6x2048xf32, #tpu.memory_space<vmem>>
        %dma_start3A_562 = tpu.memref_squeeze %dma_start3A_561 : memref<1x1x6x2048xf32, #tpu.memory_space<vmem>> -> memref<1x6x2048xf32, #tpu.memory_space<vmem>>
        %dma_start3A_563 = arith.constant 0 : i32
        %dma_start3A_564 = arith.constant 0 : i32
        %dma_start3A_565 = arith.constant 0 : i32
        %dma_start3A_566 = tpu.memref_slice %arg2[%add3A_535, %dma_start3A_563, %dma_start3A_564, %dma_start3A_565] : memref<1024x1x22x2048xf32, #tpu.memory_space<hbm>> -> memref<1x1x6x2048xf32, #tpu.memory_space<hbm>>
        %dma_start3A_567 = tpu.memref_squeeze %dma_start3A_566 : memref<1x1x6x2048xf32, #tpu.memory_space<hbm>> -> memref<1x6x2048xf32, #tpu.memory_space<hbm>>
        %dma_start3A_568 = arith.constant 0 : i32
        %dma_start3A_569 = arith.constant 1 : i32
        %dma_start3A_570 = arith.constant 0 : i32
        %dma_start3A_571 = tpu.memref_slice %arg4[%dma_start3A_557, %dma_start3A_568, %dma_start3A_569, %dma_start3A_570] : memref<2x1x19x2048xf32, #tpu.memory_space<vmem>> -> memref<1x1x6x2048xf32, #tpu.memory_space<vmem>>
        %dma_start3A_572 = tpu.memref_squeeze %dma_start3A_571 : memref<1x1x6x2048xf32, #tpu.memory_space<vmem>> -> memref<1x6x2048xf32, #tpu.memory_space<vmem>>
        %dma_start3A_573 = arith.constant 0 : i32
        %dma_start3A_574 = arith.constant 0 : i32
        %dma_start3A_575 = arith.constant 0 : i32
        %dma_start3A_576 = tpu.memref_slice %arg2[%add3A_535, %dma_start3A_573, %dma_start3A_574, %dma_start3A_575] : memref<1024x1x22x2048xf32, #tpu.memory_space<hbm>> -> memref<1x1x6x2048xf32, #tpu.memory_space<hbm>>
        %dma_start3A_577 = tpu.memref_squeeze %dma_start3A_576 : memref<1x1x6x2048xf32, #tpu.memory_space<hbm>> -> memref<1x6x2048xf32, #tpu.memory_space<hbm>>
        tpu.enqueue_dma source(%dma_start3A_577 : memref<1x6x2048xf32, #tpu.memory_space<hbm>>) target(%dma_start3A_572 : memref<1x6x2048xf32, #tpu.memory_space<vmem>>) target_semaphore(%arg5 : memref<!tpu.dma_semaphore, #tpu.memory_space<semaphore_mem>>)
        %dma_start3A_578 = arith.constant 0 : i32
        %dma_start3A_579 = arith.constant 0 : i32
        %dma_start3A_580 = arith.constant 7 : i32
        %dma_start3A_581 = arith.constant 0 : i32
        %dma_start3A_582 = tpu.memref_slice %arg4[%dma_start3A_578, %dma_start3A_579, %dma_start3A_580, %dma_start3A_581] : memref<2x1x19x2048xf32, #tpu.memory_space<vmem>> -> memref<1x1x2x2048xf32, #tpu.memory_space<vmem>>
        %dma_start3A_583 = tpu.memref_squeeze %dma_start3A_582 : memref<1x1x2x2048xf32, #tpu.memory_space<vmem>> -> memref<1x2x2048xf32, #tpu.memory_space<vmem>>
        %dma_start3A_584 = arith.constant 0 : i32
        %dma_start3A_585 = arith.constant 7 : i32
        %dma_start3A_586 = arith.constant 0 : i32
        %dma_start3A_587 = tpu.memref_slice %arg2[%add3A_535, %dma_start3A_584, %dma_start3A_585, %dma_start3A_586] : memref<1024x1x22x2048xf32, #tpu.memory_space<hbm>> -> memref<1x1x2x2048xf32, #tpu.memory_space<hbm>>
        %dma_start3A_588 = tpu.memref_squeeze %dma_start3A_587 : memref<1x1x2x2048xf32, #tpu.memory_space<hbm>> -> memref<1x2x2048xf32, #tpu.memory_space<hbm>>
        %dma_start3A_589 = arith.constant 0 : i32
        %dma_start3A_590 = arith.constant 7 : i32
        %dma_start3A_591 = arith.constant 0 : i32
        %dma_start3A_592 = tpu.memref_slice %arg4[%dma_start3A_578, %dma_start3A_589, %dma_start3A_590, %dma_start3A_591] : memref<2x1x19x2048xf32, #tpu.memory_space<vmem>> -> memref<1x1x2x2048xf32, #tpu.memory_space<vmem>>
        %dma_start3A_593 = tpu.memref_squeeze %dma_start3A_592 : memref<1x1x2x2048xf32, #tpu.memory_space<vmem>> -> memref<1x2x2048xf32, #tpu.memory_space<vmem>>
        %dma_start3A_594 = arith.constant 0 : i32
        %dma_start3A_595 = arith.constant 7 : i32
        %dma_start3A_596 = arith.constant 0 : i32
        %dma_start3A_597 = tpu.memref_slice %arg2[%add3A_535, %dma_start3A_594, %dma_start3A_595, %dma_start3A_596] : memref<1024x1x22x2048xf32, #tpu.memory_space<hbm>> -> memref<1x1x2x2048xf32, #tpu.memory_space<hbm>>
        %dma_start3A_598 = tpu.memref_squeeze %dma_start3A_597 : memref<1x1x2x2048xf32, #tpu.memory_space<hbm>> -> memref<1x2x2048xf32, #tpu.memory_space<hbm>>
        tpu.enqueue_dma source(%dma_start3A_598 : memref<1x2x2048xf32, #tpu.memory_space<hbm>>) target(%dma_start3A_593 : memref<1x2x2048xf32, #tpu.memory_space<vmem>>) target_semaphore(%arg5 : memref<!tpu.dma_semaphore, #tpu.memory_space<semaphore_mem>>)
        %dma_start3A_599 = arith.constant 0 : i32
        %dma_start3A_600 = arith.constant 0 : i32
        %dma_start3A_601 = arith.constant 9 : i32
        %dma_start3A_602 = arith.constant 0 : i32
        %dma_start3A_603 = tpu.memref_slice %arg4[%dma_start3A_599, %dma_start3A_600, %dma_start3A_601, %dma_start3A_602] : memref<2x1x19x2048xf32, #tpu.memory_space<vmem>> -> memref<1x1x2x2048xf32, #tpu.memory_space<vmem>>
        %dma_start3A_604 = tpu.memref_squeeze %dma_start3A_603 : memref<1x1x2x2048xf32, #tpu.memory_space<vmem>> -> memref<1x2x2048xf32, #tpu.memory_space<vmem>>
        %dma_start3A_605 = arith.constant 0 : i32
        %dma_start3A_606 = arith.constant 10 : i32
        %dma_start3A_607 = arith.constant 0 : i32
        %dma_start3A_608 = tpu.memref_slice %arg2[%add3A_535, %dma_start3A_605, %dma_start3A_606, %dma_start3A_607] : memref<1024x1x22x2048xf32, #tpu.memory_space<hbm>> -> memref<1x1x2x2048xf32, #tpu.memory_space<hbm>>
        %dma_start3A_609 = tpu.memref_squeeze %dma_start3A_608 : memref<1x1x2x2048xf32, #tpu.memory_space<hbm>> -> memref<1x2x2048xf32, #tpu.memory_space<hbm>>
        %dma_start3A_610 = arith.constant 0 : i32
        %dma_start3A_611 = arith.constant 9 : i32
        %dma_start3A_612 = arith.constant 0 : i32
        %dma_start3A_613 = tpu.memref_slice %arg4[%dma_start3A_599, %dma_start3A_610, %dma_start3A_611, %dma_start3A_612] : memref<2x1x19x2048xf32, #tpu.memory_space<vmem>> -> memref<1x1x2x2048xf32, #tpu.memory_space<vmem>>
        %dma_start3A_614 = tpu.memref_squeeze %dma_start3A_613 : memref<1x1x2x2048xf32, #tpu.memory_space<vmem>> -> memref<1x2x2048xf32, #tpu.memory_space<vmem>>
        %dma_start3A_615 = arith.constant 0 : i32
        %dma_start3A_616 = arith.constant 10 : i32
        %dma_start3A_617 = arith.constant 0 : i32
        %dma_start3A_618 = tpu.memref_slice %arg2[%add3A_535, %dma_start3A_615, %dma_start3A_616, %dma_start3A_617] : memref<1024x1x22x2048xf32, #tpu.memory_space<hbm>> -> memref<1x1x2x2048xf32, #tpu.memory_space<hbm>>
        %dma_start3A_619 = tpu.memref_squeeze %dma_start3A_618 : memref<1x1x2x2048xf32, #tpu.memory_space<hbm>> -> memref<1x2x2048xf32, #tpu.memory_space<hbm>>
        tpu.enqueue_dma source(%dma_start3A_619 : memref<1x2x2048xf32, #tpu.memory_space<hbm>>) target(%dma_start3A_614 : memref<1x2x2048xf32, #tpu.memory_space<vmem>>) target_semaphore(%arg5 : memref<!tpu.dma_semaphore, #tpu.memory_space<semaphore_mem>>)
        %dma_start3A_620 = arith.constant 0 : i32
        %dma_start3A_621 = arith.constant 0 : i32
        %dma_start3A_622 = arith.constant 11 : i32
        %dma_start3A_623 = arith.constant 0 : i32
        %dma_start3A_624 = tpu.memref_slice %arg4[%dma_start3A_620, %dma_start3A_621, %dma_start3A_622, %dma_start3A_623] : memref<2x1x19x2048xf32, #tpu.memory_space<vmem>> -> memref<1x1x8x2048xf32, #tpu.memory_space<vmem>>
        %dma_start3A_625 = tpu.memref_squeeze %dma_start3A_624 : memref<1x1x8x2048xf32, #tpu.memory_space<vmem>> -> memref<1x8x2048xf32, #tpu.memory_space<vmem>>
        %dma_start3A_626 = arith.constant 0 : i32
        %dma_start3A_627 = arith.constant 13 : i32
        %dma_start3A_628 = arith.constant 0 : i32
        %dma_start3A_629 = tpu.memref_slice %arg2[%add3A_535, %dma_start3A_626, %dma_start3A_627, %dma_start3A_628] : memref<1024x1x22x2048xf32, #tpu.memory_space<hbm>> -> memref<1x1x8x2048xf32, #tpu.memory_space<hbm>>
        %dma_start3A_630 = tpu.memref_squeeze %dma_start3A_629 : memref<1x1x8x2048xf32, #tpu.memory_space<hbm>> -> memref<1x8x2048xf32, #tpu.memory_space<hbm>>
        %dma_start3A_631 = arith.constant 0 : i32
        %dma_start3A_632 = arith.constant 11 : i32
        %dma_start3A_633 = arith.constant 0 : i32
        %dma_start3A_634 = tpu.memref_slice %arg4[%dma_start3A_620, %dma_start3A_631, %dma_start3A_632, %dma_start3A_633] : memref<2x1x19x2048xf32, #tpu.memory_space<vmem>> -> memref<1x1x8x2048xf32, #tpu.memory_space<vmem>>
        %dma_start3A_635 = tpu.memref_squeeze %dma_start3A_634 : memref<1x1x8x2048xf32, #tpu.memory_space<vmem>> -> memref<1x8x2048xf32, #tpu.memory_space<vmem>>
        %dma_start3A_636 = arith.constant 0 : i32
        %dma_start3A_637 = arith.constant 13 : i32
        %dma_start3A_638 = arith.constant 0 : i32
        %dma_start3A_639 = tpu.memref_slice %arg2[%add3A_535, %dma_start3A_636, %dma_start3A_637, %dma_start3A_638] : memref<1024x1x22x2048xf32, #tpu.memory_space<hbm>> -> memref<1x1x8x2048xf32, #tpu.memory_space<hbm>>
        %dma_start3A_640 = tpu.memref_squeeze %dma_start3A_639 : memref<1x1x8x2048xf32, #tpu.memory_space<hbm>> -> memref<1x8x2048xf32, #tpu.memory_space<hbm>>
        tpu.enqueue_dma source(%dma_start3A_640 : memref<1x8x2048xf32, #tpu.memory_space<hbm>>) target(%dma_start3A_635 : memref<1x8x2048xf32, #tpu.memory_space<vmem>>) target_semaphore(%arg5 : memref<!tpu.dma_semaphore, #tpu.memory_space<semaphore_mem>>)
      } else {
      }
      %add3A_403 = arith.constant 1 : i32
      %add3A_404 = arith.addi %add3A_140, %add3A_403 : i32
      %dma_wait3A_405 = arith.constant 1 : i32
      %dma_wait3A_406 = arith.constant 0 : i32
      %dma_wait3A_407 = arith.constant 0 : i32
      %dma_wait3A_408 = arith.constant 0 : i32
      %dma_wait3A_409 = tpu.memref_slice %arg4[%dma_wait3A_405, %dma_wait3A_406, %dma_wait3A_407, %dma_wait3A_408] : memref<2x1x19x2048xf32, #tpu.memory_space<vmem>> -> memref<1x1x1x2048xf32, #tpu.memory_space<vmem>>
      %dma_wait3A_410 = tpu.memref_squeeze %dma_wait3A_409 : memref<1x1x1x2048xf32, #tpu.memory_space<vmem>> -> memref<1x1x2048xf32, #tpu.memory_space<vmem>>
      %dma_wait3A_411 = arith.constant 0 : i32
      %dma_wait3A_412 = arith.constant 9 : i32
      %dma_wait3A_413 = arith.constant 0 : i32
      %dma_wait3A_414 = tpu.memref_slice %arg2[%add3A_404, %dma_wait3A_411, %dma_wait3A_412, %dma_wait3A_413] : memref<1024x1x22x2048xf32, #tpu.memory_space<hbm>> -> memref<1x1x1x2048xf32, #tpu.memory_space<hbm>>
      %dma_wait3A_415 = tpu.memref_squeeze %dma_wait3A_414 : memref<1x1x1x2048xf32, #tpu.memory_space<hbm>> -> memref<1x1x2048xf32, #tpu.memory_space<hbm>>
      %dma_wait3A_416 = arith.constant 0 : i32
      %dma_wait3A_417 = arith.constant 0 : i32
      %dma_wait3A_418 = arith.constant 0 : i32
      %dma_wait3A_419 = tpu.memref_slice %arg4[%dma_wait3A_405, %dma_wait3A_416, %dma_wait3A_417, %dma_wait3A_418] : memref<2x1x19x2048xf32, #tpu.memory_space<vmem>> -> memref<1x1x1x2048xf32, #tpu.memory_space<vmem>>
      %dma_wait3A_420 = tpu.memref_squeeze %dma_wait3A_419 : memref<1x1x1x2048xf32, #tpu.memory_space<vmem>> -> memref<1x1x2048xf32, #tpu.memory_space<vmem>>
      %dma_wait3A_421 = arith.constant 0 : i32
      %dma_wait3A_422 = arith.constant 9 : i32
      %dma_wait3A_423 = arith.constant 0 : i32
      %dma_wait3A_424 = tpu.memref_slice %arg2[%add3A_404, %dma_wait3A_421, %dma_wait3A_422, %dma_wait3A_423] : memref<1024x1x22x2048xf32, #tpu.memory_space<hbm>> -> memref<1x1x1x2048xf32, #tpu.memory_space<hbm>>
      %dma_wait3A_425 = tpu.memref_squeeze %dma_wait3A_424 : memref<1x1x1x2048xf32, #tpu.memory_space<hbm>> -> memref<1x1x2048xf32, #tpu.memory_space<hbm>>
      tpu.wait_dma2 semaphore(%arg6 : memref<!tpu.dma_semaphore, #tpu.memory_space<semaphore_mem>>) src(%dma_wait3A_425 : memref<1x1x2048xf32, #tpu.memory_space<hbm>>) dst(%dma_wait3A_420 : memref<1x1x2048xf32, #tpu.memory_space<vmem>>)
      %dma_wait3A_426 = arith.constant 1 : i32
      %dma_wait3A_427 = arith.constant 0 : i32
      %dma_wait3A_428 = arith.constant 1 : i32
      %dma_wait3A_429 = arith.constant 0 : i32
      %dma_wait3A_430 = tpu.memref_slice %arg4[%dma_wait3A_426, %dma_wait3A_427, %dma_wait3A_428, %dma_wait3A_429] : memref<2x1x19x2048xf32, #tpu.memory_space<vmem>> -> memref<1x1x6x2048xf32, #tpu.memory_space<vmem>>
      %dma_wait3A_431 = tpu.memref_squeeze %dma_wait3A_430 : memref<1x1x6x2048xf32, #tpu.memory_space<vmem>> -> memref<1x6x2048xf32, #tpu.memory_space<vmem>>
      %dma_wait3A_432 = arith.constant 0 : i32
      %dma_wait3A_433 = arith.constant 0 : i32
      %dma_wait3A_434 = arith.constant 0 : i32
      %dma_wait3A_435 = tpu.memref_slice %arg2[%add3A_404, %dma_wait3A_432, %dma_wait3A_433, %dma_wait3A_434] : memref<1024x1x22x2048xf32, #tpu.memory_space<hbm>> -> memref<1x1x6x2048xf32, #tpu.memory_space<hbm>>
      %dma_wait3A_436 = tpu.memref_squeeze %dma_wait3A_435 : memref<1x1x6x2048xf32, #tpu.memory_space<hbm>> -> memref<1x6x2048xf32, #tpu.memory_space<hbm>>
      %dma_wait3A_437 = arith.constant 0 : i32
      %dma_wait3A_438 = arith.constant 1 : i32
      %dma_wait3A_439 = arith.constant 0 : i32
      %dma_wait3A_440 = tpu.memref_slice %arg4[%dma_wait3A_426, %dma_wait3A_437, %dma_wait3A_438, %dma_wait3A_439] : memref<2x1x19x2048xf32, #tpu.memory_space<vmem>> -> memref<1x1x6x2048xf32, #tpu.memory_space<vmem>>
      %dma_wait3A_441 = tpu.memref_squeeze %dma_wait3A_440 : memref<1x1x6x2048xf32, #tpu.memory_space<vmem>> -> memref<1x6x2048xf32, #tpu.memory_space<vmem>>
      %dma_wait3A_442 = arith.constant 0 : i32
      %dma_wait3A_443 = arith.constant 0 : i32
      %dma_wait3A_444 = arith.constant 0 : i32
      %dma_wait3A_445 = tpu.memref_slice %arg2[%add3A_404, %dma_wait3A_442, %dma_wait3A_443, %dma_wait3A_444] : memref<1024x1x22x2048xf32, #tpu.memory_space<hbm>> -> memref<1x1x6x2048xf32, #tpu.memory_space<hbm>>
      %dma_wait3A_446 = tpu.memref_squeeze %dma_wait3A_445 : memref<1x1x6x2048xf32, #tpu.memory_space<hbm>> -> memref<1x6x2048xf32, #tpu.memory_space<hbm>>
      tpu.wait_dma2 semaphore(%arg6 : memref<!tpu.dma_semaphore, #tpu.memory_space<semaphore_mem>>) src(%dma_wait3A_446 : memref<1x6x2048xf32, #tpu.memory_space<hbm>>) dst(%dma_wait3A_441 : memref<1x6x2048xf32, #tpu.memory_space<vmem>>)
      %dma_wait3A_447 = arith.constant 1 : i32
      %dma_wait3A_448 = arith.constant 0 : i32
      %dma_wait3A_449 = arith.constant 7 : i32
      %dma_wait3A_450 = arith.constant 0 : i32
      %dma_wait3A_451 = tpu.memref_slice %arg4[%dma_wait3A_447, %dma_wait3A_448, %dma_wait3A_449, %dma_wait3A_450] : memref<2x1x19x2048xf32, #tpu.memory_space<vmem>> -> memref<1x1x2x2048xf32, #tpu.memory_space<vmem>>
      %dma_wait3A_452 = tpu.memref_squeeze %dma_wait3A_451 : memref<1x1x2x2048xf32, #tpu.memory_space<vmem>> -> memref<1x2x2048xf32, #tpu.memory_space<vmem>>
      %dma_wait3A_453 = arith.constant 0 : i32
      %dma_wait3A_454 = arith.constant 7 : i32
      %dma_wait3A_455 = arith.constant 0 : i32
      %dma_wait3A_456 = tpu.memref_slice %arg2[%add3A_404, %dma_wait3A_453, %dma_wait3A_454, %dma_wait3A_455] : memref<1024x1x22x2048xf32, #tpu.memory_space<hbm>> -> memref<1x1x2x2048xf32, #tpu.memory_space<hbm>>
      %dma_wait3A_457 = tpu.memref_squeeze %dma_wait3A_456 : memref<1x1x2x2048xf32, #tpu.memory_space<hbm>> -> memref<1x2x2048xf32, #tpu.memory_space<hbm>>
      %dma_wait3A_458 = arith.constant 0 : i32
      %dma_wait3A_459 = arith.constant 7 : i32
      %dma_wait3A_460 = arith.constant 0 : i32
      %dma_wait3A_461 = tpu.memref_slice %arg4[%dma_wait3A_447, %dma_wait3A_458, %dma_wait3A_459, %dma_wait3A_460] : memref<2x1x19x2048xf32, #tpu.memory_space<vmem>> -> memref<1x1x2x2048xf32, #tpu.memory_space<vmem>>
      %dma_wait3A_462 = tpu.memref_squeeze %dma_wait3A_461 : memref<1x1x2x2048xf32, #tpu.memory_space<vmem>> -> memref<1x2x2048xf32, #tpu.memory_space<vmem>>
      %dma_wait3A_463 = arith.constant 0 : i32
      %dma_wait3A_464 = arith.constant 7 : i32
      %dma_wait3A_465 = arith.constant 0 : i32
      %dma_wait3A_466 = tpu.memref_slice %arg2[%add3A_404, %dma_wait3A_463, %dma_wait3A_464, %dma_wait3A_465] : memref<1024x1x22x2048xf32, #tpu.memory_space<hbm>> -> memref<1x1x2x2048xf32, #tpu.memory_space<hbm>>
      %dma_wait3A_467 = tpu.memref_squeeze %dma_wait3A_466 : memref<1x1x2x2048xf32, #tpu.memory_space<hbm>> -> memref<1x2x2048xf32, #tpu.memory_space<hbm>>
      tpu.wait_dma2 semaphore(%arg6 : memref<!tpu.dma_semaphore, #tpu.memory_space<semaphore_mem>>) src(%dma_wait3A_467 : memref<1x2x2048xf32, #tpu.memory_space<hbm>>) dst(%dma_wait3A_462 : memref<1x2x2048xf32, #tpu.memory_space<vmem>>)
      %dma_wait3A_468 = arith.constant 1 : i32
      %dma_wait3A_469 = arith.constant 0 : i32
      %dma_wait3A_470 = arith.constant 9 : i32
      %dma_wait3A_471 = arith.constant 0 : i32
      %dma_wait3A_472 = tpu.memref_slice %arg4[%dma_wait3A_468, %dma_wait3A_469, %dma_wait3A_470, %dma_wait3A_471] : memref<2x1x19x2048xf32, #tpu.memory_space<vmem>> -> memref<1x1x2x2048xf32, #tpu.memory_space<vmem>>
      %dma_wait3A_473 = tpu.memref_squeeze %dma_wait3A_472 : memref<1x1x2x2048xf32, #tpu.memory_space<vmem>> -> memref<1x2x2048xf32, #tpu.memory_space<vmem>>
      %dma_wait3A_474 = arith.constant 0 : i32
      %dma_wait3A_475 = arith.constant 10 : i32
      %dma_wait3A_476 = arith.constant 0 : i32
      %dma_wait3A_477 = tpu.memref_slice %arg2[%add3A_404, %dma_wait3A_474, %dma_wait3A_475, %dma_wait3A_476] : memref<1024x1x22x2048xf32, #tpu.memory_space<hbm>> -> memref<1x1x2x2048xf32, #tpu.memory_space<hbm>>
      %dma_wait3A_478 = tpu.memref_squeeze %dma_wait3A_477 : memref<1x1x2x2048xf32, #tpu.memory_space<hbm>> -> memref<1x2x2048xf32, #tpu.memory_space<hbm>>
      %dma_wait3A_479 = arith.constant 0 : i32
      %dma_wait3A_480 = arith.constant 9 : i32
      %dma_wait3A_481 = arith.constant 0 : i32
      %dma_wait3A_482 = tpu.memref_slice %arg4[%dma_wait3A_468, %dma_wait3A_479, %dma_wait3A_480, %dma_wait3A_481] : memref<2x1x19x2048xf32, #tpu.memory_space<vmem>> -> memref<1x1x2x2048xf32, #tpu.memory_space<vmem>>
      %dma_wait3A_483 = tpu.memref_squeeze %dma_wait3A_482 : memref<1x1x2x2048xf32, #tpu.memory_space<vmem>> -> memref<1x2x2048xf32, #tpu.memory_space<vmem>>
      %dma_wait3A_484 = arith.constant 0 : i32
      %dma_wait3A_485 = arith.constant 10 : i32
      %dma_wait3A_486 = arith.constant 0 : i32
      %dma_wait3A_487 = tpu.memref_slice %arg2[%add3A_404, %dma_wait3A_484, %dma_wait3A_485, %dma_wait3A_486] : memref<1024x1x22x2048xf32, #tpu.memory_space<hbm>> -> memref<1x1x2x2048xf32, #tpu.memory_space<hbm>>
      %dma_wait3A_488 = tpu.memref_squeeze %dma_wait3A_487 : memref<1x1x2x2048xf32, #tpu.memory_space<hbm>> -> memref<1x2x2048xf32, #tpu.memory_space<hbm>>
      tpu.wait_dma2 semaphore(%arg6 : memref<!tpu.dma_semaphore, #tpu.memory_space<semaphore_mem>>) src(%dma_wait3A_488 : memref<1x2x2048xf32, #tpu.memory_space<hbm>>) dst(%dma_wait3A_483 : memref<1x2x2048xf32, #tpu.memory_space<vmem>>)
      %dma_wait3A_489 = arith.constant 1 : i32
      %dma_wait3A_490 = arith.constant 0 : i32
      %dma_wait3A_491 = arith.constant 11 : i32
      %dma_wait3A_492 = arith.constant 0 : i32
      %dma_wait3A_493 = tpu.memref_slice %arg4[%dma_wait3A_489, %dma_wait3A_490, %dma_wait3A_491, %dma_wait3A_492] : memref<2x1x19x2048xf32, #tpu.memory_space<vmem>> -> memref<1x1x8x2048xf32, #tpu.memory_space<vmem>>
      %dma_wait3A_494 = tpu.memref_squeeze %dma_wait3A_493 : memref<1x1x8x2048xf32, #tpu.memory_space<vmem>> -> memref<1x8x2048xf32, #tpu.memory_space<vmem>>
      %dma_wait3A_495 = arith.constant 0 : i32
      %dma_wait3A_496 = arith.constant 13 : i32
      %dma_wait3A_497 = arith.constant 0 : i32
      %dma_wait3A_498 = tpu.memref_slice %arg2[%add3A_404, %dma_wait3A_495, %dma_wait3A_496, %dma_wait3A_497] : memref<1024x1x22x2048xf32, #tpu.memory_space<hbm>> -> memref<1x1x8x2048xf32, #tpu.memory_space<hbm>>
      %dma_wait3A_499 = tpu.memref_squeeze %dma_wait3A_498 : memref<1x1x8x2048xf32, #tpu.memory_space<hbm>> -> memref<1x8x2048xf32, #tpu.memory_space<hbm>>
      %dma_wait3A_500 = arith.constant 0 : i32
      %dma_wait3A_501 = arith.constant 11 : i32
      %dma_wait3A_502 = arith.constant 0 : i32
      %dma_wait3A_503 = tpu.memref_slice %arg4[%dma_wait3A_489, %dma_wait3A_500, %dma_wait3A_501, %dma_wait3A_502] : memref<2x1x19x2048xf32, #tpu.memory_space<vmem>> -> memref<1x1x8x2048xf32, #tpu.memory_space<vmem>>
      %dma_wait3A_504 = tpu.memref_squeeze %dma_wait3A_503 : memref<1x1x8x2048xf32, #tpu.memory_space<vmem>> -> memref<1x8x2048xf32, #tpu.memory_space<vmem>>
      %dma_wait3A_505 = arith.constant 0 : i32
      %dma_wait3A_506 = arith.constant 13 : i32
      %dma_wait3A_507 = arith.constant 0 : i32
      %dma_wait3A_508 = tpu.memref_slice %arg2[%add3A_404, %dma_wait3A_505, %dma_wait3A_506, %dma_wait3A_507] : memref<1024x1x22x2048xf32, #tpu.memory_space<hbm>> -> memref<1x1x8x2048xf32, #tpu.memory_space<hbm>>
      %dma_wait3A_509 = tpu.memref_squeeze %dma_wait3A_508 : memref<1x1x8x2048xf32, #tpu.memory_space<hbm>> -> memref<1x8x2048xf32, #tpu.memory_space<hbm>>
      tpu.wait_dma2 semaphore(%arg6 : memref<!tpu.dma_semaphore, #tpu.memory_space<semaphore_mem>>) src(%dma_wait3A_509 : memref<1x8x2048xf32, #tpu.memory_space<hbm>>) dst(%dma_wait3A_504 : memref<1x8x2048xf32, #tpu.memory_space<vmem>>)
      %add3A_510 = arith.constant 1 : i32
      %add3A_511 = arith.addi %add3A_140, %add3A_510 : i32
      %dma_start3A_512 = arith.constant 1 : i32
      %dma_start3A_513 = arith.constant 0 : i32
      %dma_start3A_514 = arith.constant 0 : i32
      %dma_start3A_515 = arith.constant 0 : i32
      %dma_start3A_516 = tpu.memref_slice %arg4[%dma_start3A_512, %dma_start3A_513, %dma_start3A_514, %dma_start3A_515] : memref<2x1x19x2048xf32, #tpu.memory_space<vmem>> -> memref<1x1x19x2048xf32, #tpu.memory_space<vmem>>
      %dma_start3A_517 = tpu.memref_squeeze %dma_start3A_516 : memref<1x1x19x2048xf32, #tpu.memory_space<vmem>> -> memref<1x19x2048xf32, #tpu.memory_space<vmem>>
      %dma_start3A_518 = arith.constant 0 : i32
      %dma_start3A_519 = arith.constant 0 : i32
      %dma_start3A_520 = arith.constant 0 : i32
      %dma_start3A_521 = tpu.memref_slice %arg3[%add3A_511, %dma_start3A_518, %dma_start3A_519, %dma_start3A_520] : memref<1024x1x19x2048xf32, #tpu.memory_space<hbm>> -> memref<1x1x19x2048xf32, #tpu.memory_space<hbm>>
      %dma_start3A_522 = tpu.memref_squeeze %dma_start3A_521 : memref<1x1x19x2048xf32, #tpu.memory_space<hbm>> -> memref<1x19x2048xf32, #tpu.memory_space<hbm>>
      %dma_start3A_523 = arith.constant 0 : i32
      %dma_start3A_524 = arith.constant 0 : i32
      %dma_start3A_525 = arith.constant 0 : i32
      %dma_start3A_526 = tpu.memref_slice %arg3[%add3A_511, %dma_start3A_523, %dma_start3A_524, %dma_start3A_525] : memref<1024x1x19x2048xf32, #tpu.memory_space<hbm>> -> memref<1x1x19x2048xf32, #tpu.memory_space<hbm>>
      %dma_start3A_527 = tpu.memref_squeeze %dma_start3A_526 : memref<1x1x19x2048xf32, #tpu.memory_space<hbm>> -> memref<1x19x2048xf32, #tpu.memory_space<hbm>>
      %dma_start3A_528 = arith.constant 0 : i32
      %dma_start3A_529 = arith.constant 0 : i32
      %dma_start3A_530 = arith.constant 0 : i32
      %dma_start3A_531 = tpu.memref_slice %arg4[%dma_start3A_512, %dma_start3A_528, %dma_start3A_529, %dma_start3A_530] : memref<2x1x19x2048xf32, #tpu.memory_space<vmem>> -> memref<1x1x19x2048xf32, #tpu.memory_space<vmem>>
      %dma_start3A_532 = tpu.memref_squeeze %dma_start3A_531 : memref<1x1x19x2048xf32, #tpu.memory_space<vmem>> -> memref<1x19x2048xf32, #tpu.memory_space<vmem>>
      tpu.enqueue_dma source(%dma_start3A_532 : memref<1x19x2048xf32, #tpu.memory_space<vmem>>) target(%dma_start3A_527 : memref<1x19x2048xf32, #tpu.memory_space<hbm>>) target_semaphore(%arg8 : memref<!tpu.dma_semaphore, #tpu.memory_space<semaphore_mem>>)
      %scan3A_533 = arith.constant 0 : i32
      scf.yield %scan3A_533 : i32
    }
    %scan3A_112 = arith.constant 16 : i32
    %add3A_113 = arith.constant 32 : i32
    %add3A_114 = arith.addi %mul3A_2, %add3A_113 : i32
    %sub3A = arith.constant 1 : i32
    %sub3A_115 = arith.subi %add3A_114, %sub3A : i32
    %dma_wait3A = arith.constant 1 : i32
    %dma_wait3A_116 = arith.constant 0 : i32
    %dma_wait3A_117 = arith.constant 0 : i32
    %dma_wait3A_118 = arith.constant 0 : i32
    %dma_wait3A_119 = tpu.memref_slice %arg4[%dma_wait3A, %dma_wait3A_116, %dma_wait3A_117, %dma_wait3A_118] : memref<2x1x19x2048xf32, #tpu.memory_space<vmem>> -> memref<1x1x19x2048xf32, #tpu.memory_space<vmem>>
    %dma_wait3A_120 = tpu.memref_squeeze %dma_wait3A_119 : memref<1x1x19x2048xf32, #tpu.memory_space<vmem>> -> memref<1x19x2048xf32, #tpu.memory_space<vmem>>
    %dma_wait3A_121 = arith.constant 0 : i32
    %dma_wait3A_122 = arith.constant 0 : i32
    %dma_wait3A_123 = arith.constant 0 : i32
    %dma_wait3A_124 = tpu.memref_slice %arg3[%sub3A_115, %dma_wait3A_121, %dma_wait3A_122, %dma_wait3A_123] : memref<1024x1x19x2048xf32, #tpu.memory_space<hbm>> -> memref<1x1x19x2048xf32, #tpu.memory_space<hbm>>
    %dma_wait3A_125 = tpu.memref_squeeze %dma_wait3A_124 : memref<1x1x19x2048xf32, #tpu.memory_space<hbm>> -> memref<1x19x2048xf32, #tpu.memory_space<hbm>>
    %dma_wait3A_126 = arith.constant 0 : i32
    %dma_wait3A_127 = arith.constant 0 : i32
    %dma_wait3A_128 = arith.constant 0 : i32
    %dma_wait3A_129 = tpu.memref_slice %arg3[%sub3A_115, %dma_wait3A_126, %dma_wait3A_127, %dma_wait3A_128] : memref<1024x1x19x2048xf32, #tpu.memory_space<hbm>> -> memref<1x1x19x2048xf32, #tpu.memory_space<hbm>>
    %dma_wait3A_130 = tpu.memref_squeeze %dma_wait3A_129 : memref<1x1x19x2048xf32, #tpu.memory_space<hbm>> -> memref<1x19x2048xf32, #tpu.memory_space<hbm>>
    %dma_wait3A_131 = arith.constant 0 : i32
    %dma_wait3A_132 = arith.constant 0 : i32
    %dma_wait3A_133 = arith.constant 0 : i32
    %dma_wait3A_134 = tpu.memref_slice %arg4[%dma_wait3A, %dma_wait3A_131, %dma_wait3A_132, %dma_wait3A_133] : memref<2x1x19x2048xf32, #tpu.memory_space<vmem>> -> memref<1x1x19x2048xf32, #tpu.memory_space<vmem>>
    %dma_wait3A_135 = tpu.memref_squeeze %dma_wait3A_134 : memref<1x1x19x2048xf32, #tpu.memory_space<vmem>> -> memref<1x19x2048xf32, #tpu.memory_space<vmem>>
    tpu.wait_dma2 semaphore(%arg8 : memref<!tpu.dma_semaphore, #tpu.memory_space<semaphore_mem>>) src(%dma_wait3A_135 : memref<1x19x2048xf32, #tpu.memory_space<vmem>>) dst(%dma_wait3A_130 : memref<1x19x2048xf32, #tpu.memory_space<hbm>>)
    return
  }
}

</mosaic_0001>

<sc_bundles>
// kernel: kernel.3.cloned.1.call-start
scs
__scs_entry_jumppad:
0x0: {  	(pc) =	sbr.rel $0x88, $3  }
0x1: {  	(tag) =	ssettag $0x0;
	lr =	simm.s32 $0x1  }
0x2: {  	[smem:$0x3FA0] =	sst lr;
	_ =	strace $0xD0000000  }
0x3: {  	_ = 	snop  }
0x4: {  	_ = 	snop  }
0x5: {  	_ = 	snop  }
0x6: {  	_ = 	snop  }
0x7: {  	_ = 	snop  }
__scs_overlays_trampoline_lowered:
0x8: {  	[smem:$0x3FAF] =	sst s0  }
0x9: {  	[smem:$0x3FB0] =	sst s1  }
0xa: {  	[smem:$0x3FB1] =	sst s2  }
0xb: {  	[smem:$0x3FB2] =	sst s3  }
0xc: {  	[smem:$0x3FB3] =	sst s4  }
0xd: {  	[smem:$0x3FB4] =	sst s5  }
0xe: {  	[smem:$0x3FB5] =	sst s6  }
0xf: {  	[smem:$0x3FB6] =	sst s7  }
0x10: {  	[smem:$0x3FB7] =	sst s8  }
0x11: {  	[smem:$0x3FB8] =	sst s9;
	s0 =	simm.s32 @!p0 $0x0  }
0x12: {  	s1 =	sld [smem:$0x3F9E];
	s0 =	simm.s32 @p0 $0x1  }
0x13: {  	[smem:$0x3FB9] =	sst s0;
	s0 =	simm.s32 @!p1 $0x0  }
0x14: {  	s2 =	sld [smem:$0x3F9D];
	s0 =	simm.s32 @p1 $0x1  }
0x15: {  	[smem:$0x3FBA] =	sst s0;
	s0 =	simm.s32 @!p2 $0x0  }
0x16: {  	s3 =	sld [smem:$0x3FDB];
	s0 =	simm.s32 @p2 $0x1  }
0x17: {  	s4 =	simm.s32 $0x1BF5;
	[smem:$0x3FBC] =	sst s0  }
0x18: {  	s0 =	sld [smem:$0x3F9F];
	_ =	swait.ge [sflag:s4], $0x0  }
0x19: {  	s7 =	sld [smem:$0x3FA0]  }
0x1a: {  	s8 =	sadd.s32 $0xFFFFE003, lr  }
0x1b: {  	s9 =	sadd.s32 $0xFFFFFEF7, lr;
	s5 =	simm.s32 $0xFFFFFFFF;
	p2 =	slt.u32 s8, $0xFFFFF086  }
0x1c: {  	p1 =	slt.u32 s9, $0xF7A;
	s5 =	simm.s32 @!p2 $0x0  }
0x1d: {  	s5 =	simm.s32 @p1 $0x1;
	p0 =	seq.s32 s7, s2  }
0x1e: {  	s7 =	smul.u32 @!p0 $0xF7A, s2;
	p2 =	seq.s32 @!p0 s5, $0x0  }
0x1f: {  	s9 =	smul.u32 $0xF7A, s1;
	s8 =	simm.s32 @!p0 $0x1BF5;
	p2 =	por !p2, p0  }
0x20: {  	[sflag:s8] =	ssyncset.s32 @!p0 $0xFFFFF086;
	s6 =	sadd.s32 @!p0 s3, s7;
	s7 =	simm.s32 @!p0 $0x108  }
0x21: {  	s3 =	sadd.s32 s3, s9;
	s6 =	sadd.s32 @!p0 $0x88, s6;
	s7 =	simm.s32 @p2 $0x1082  }
0x22: {  	[simem:s7], [sflag:s8] =	dma.local @!p0 [hbm:s6], $0xF7A  }
0x23: {  	s9 =	sor.u32 $0xD0000000, s2;
	s6 =	simm.s32 $0x108;
	_ =	swait.ge @!p0 [sflag:s8], $0x0  }
0x24: {  	s3 =	sadd.s32 $0x88, s3;
	s6 =	simm.s32 @!p1 $0x1082;
	[sflag:s4] =	ssyncset.s32 $0xFFFFF086  }
0x25: {  	[simem:s6], [sflag:s4] =	dma.local [hbm:s3], $0xF7A  }
0x26: {  	[smem:$0x3FA0] =	sst s1;
	(tag) =	ssettag s2;
	_ =	strace s9  }
0x27: {  	s1 =	sld [smem:$0x3FB0]  }
0x28: {  	s2 =	sld [smem:$0x3FB1]  }
0x29: {  	s4 =	sld [smem:$0x3FB3]  }
0x2a: {  	p0 =	seq.s32 s5, $0x0;
	s5 =	sld [smem:$0x3FB4]  }
0x2b: {  	s6 =	sld [smem:$0x3FB5]  }
0x2c: {  	s7 =	sld [smem:$0x3FB6]  }
0x2d: {  	s3 =	simm.s32 $0x108;
	s8 =	sld [smem:$0x3FB7]  }
0x2e: {  	s3 =	simm.s32 @!p0 $0x1082;
	s9 =	sld [smem:$0x3FB8]  }
0x2f: {  	lr =	sadd.s32 s0, s3;
	s0 =	sld [smem:$0x3FAF]  }
0x30: {  	s3 =	sld [smem:$0x3FB2]  }
0x31: {  	[smem:$0x3FBB] =	sst s10  }
0x32: {  	s10 =	sld [smem:$0x3FB9];
	_ =	sdelay $0x3  }
0x33: {  	p0 =	seq.s32 s10, $0x1;
	s10 =	sld [smem:$0x3FBB];
	_ =	sdelay $0x3  }
0x34: {  	[smem:$0x3FBB] =	sst s10  }
0x35: {  	s10 =	sld [smem:$0x3FBA];
	_ =	sdelay $0x3  }
0x36: {  	p1 =	seq.s32 s10, $0x1;
	s10 =	sld [smem:$0x3FBB];
	_ =	sdelay $0x3  }
0x37: {  	[smem:$0x3FBB] =	sst s10  }
0x38: {  	s10 =	sld [smem:$0x3FBC]  }
0x39: {  	_ = 	snop;
	(pc) =	sbr.ind lr, $3  }
0x3a: {  	_ = 	snop  }
0x3b: {  	_ = 	snop  }
0x3c: {  	p2 =	seq.s32 s10, $0x1;
	s10 =	sld [smem:$0x3FBB]  }
0x3d: {  	_ =	shalt  }
0x3e: {  	_ =	shalt  }
0x3f: {  	_ =	shalt  }
0x40: {  	_ =	shalt  }
0x41: {  	_ =	shalt  }
0x42: {  	_ =	shalt  }
0x43: {  	_ =	shalt  }
0x44: {  	_ =	shalt  }
0x45: {  	_ =	shalt  }
0x46: {  	_ =	shalt  }
0x47: {  	_ =	shalt  }
0x48: {  	_ =	shalt  }
0x49: {  	_ =	shalt  }
0x4a: {  	_ =	shalt  }
0x4b: {  	_ =	shalt  }
0x4c: {  	_ =	shalt  }
0x4d: {  	_ =	shalt  }
0x4e: {  	_ =	shalt  }
0x4f: {  	_ =	shalt  }
0x50: {  	_ =	shalt  }
0x51: {  	_ =	shalt  }
0x52: {  	_ =	shalt  }
0x53: {  	_ =	shalt  }
0x54: {  	_ =	shalt  }
0x55: {  	_ =	shalt  }
0x56: {  	_ =	shalt  }
0x57: {  	_ =	shalt  }
0x58: {  	_ =	shalt  }
0x59: {  	_ =	shalt  }
0x5a: {  	_ =	shalt  }
0x5b: {  	_ =	shalt  }
0x5c: {  	_ =	shalt  }
0x5d: {  	_ =	shalt  }
0x5e: {  	_ =	shalt  }
0x5f: {  	_ =	shalt  }
0x60: {  	_ =	shalt  }
0x61: {  	_ =	shalt  }
0x62: {  	_ =	shalt  }
0x63: {  	_ =	shalt  }
0x64: {  	_ =	shalt  }
0x65: {  	_ =	shalt  }
0x66: {  	_ =	shalt  }
0x67: {  	_ =	shalt  }
0x68: {  	_ =	shalt  }
0x69: {  	_ =	shalt  }
0x6a: {  	_ =	shalt  }
0x6b: {  	_ =	shalt  }
0x6c: {  	_ =	shalt  }
0x6d: {  	_ =	shalt  }
0x6e: {  	_ =	shalt  }
0x6f: {  	_ =	shalt  }
0x70: {  	_ =	shalt  }
0x71: {  	_ =	shalt  }
0x72: {  	_ =	shalt  }
0x73: {  	_ =	shalt  }
0x74: {  	_ =	shalt  }
0x75: {  	_ =	shalt  }
0x76: {  	_ =	shalt  }
0x77: {  	_ =	shalt  }
0x78: {  	_ =	shalt  }
0x79: {  	_ =	shalt  }
0x7a: {  	_ =	shalt  }
0x7b: {  	_ =	shalt  }
0x7c: {  	_ =	shalt  }
0x7d: {  	_ =	shalt  }
0x7e: {  	_ =	shalt  }
0x7f: {  	_ =	shalt  }
0x80: {  	_ =	shalt  }
0x81: {  	_ =	shalt  }
0x82: {  	_ =	shalt  }
0x83: {  	_ =	shalt  }
0x84: {  	_ =	shalt  }
0x85: {  	_ =	shalt  }
0x86: {  	_ =	shalt  }
0x87: {  	_ =	shalt  }
.Lfunc_end0:
.L_simem_size_0:
called_computation_lowered:
.L_overlay_start_0:
0x88: {  	s2 =	sld [smem:$0x3FD9]  }
0x89: {  	s3 =	sld [smem:$0x3FFE];
	_ =	sdelay $0x1  }
0x8a: {  	s1 =	srdreg.scid  }
0x8b: {  	s0 =	sand.u32 $0x1, s1  }
0x8c: {  	s18 =	sshll.u32 s0, $0xA;
	s2 =	sadd.s32 s3, s2  }
0x8d: {  	s2 =	sadd.s32 s2, s18  }
0x8e: {  	[smem:$0x3FC7] =	sst s2  }
0x8f: {  	_ = 	snop  }
0x90: {  	s2 =	sld [smem:$0x3FC9]  }
0x91: {  	s19 =	sld [smem:$0x3FD0];
	(tm) =	ssettm $0x1  }
0x92: {  	s4 =	sld [smem:$0x3FFB];
	_ =	sdelay $0x3  }
0x93: {  	_ =	strace s4  }
0x94: {  	s4 =	sld [smem:$0x3FFC];
	_ =	sdelay $0x3  }
0x95: {  	_ =	strace s4  }
0x96: {  	s4 =	sld [smem:$0x3FFD];
	_ =	sdelay $0x3  }
0x97: {  	_ =	strace s4  }
0x98: {  	_ =	strace $0x8FFFFFFF  }
0x99: {  	s20 =	sld [smem:$0x3FDB];
	_ =	sdelay $0x1  }
0x9a: {  	s5 =	simm.s32 $_scs_section_size  }
0x9b: {  	s6 =	simm.s32 $_size__tile_overlayer_lowered;
	s7 =	simm.s32 $_tile_overlayer_lowered  }
0x9c: {  	s23 =	simm.s32 $0x1BFF;
	s22 =	sshll.u32 s7, $0x1;
	s4 =	sadd.s32 s5, s20  }
0x9d: {  	s8 =	simm.s32 $0x0;
	s21 =	sshll.u32 s6, $0x1;
	s6 =	sadd.s32 s22, s4  }
0x9e: {  	[timem:s8], [sflag:s23] =	dma.local [hbm:s6], s21  }
0x9f: {  	_ =	swait.ge [sflag:s23], s21  }
0xa0: {  	s5 =	ssub.s32 $0x0, s21;
	[sflag:s23] =	ssyncset.done $0x0  }
0xa1: {  	[sflag:s23] =	ssyncadd.s32 s5;
	_ =	sdelay $0x1  }
0xa2: {  	s24 =	simm.s32 $0x1B8B  }
0xa3: {  	_ =	swait.ge [sflag:s24], $0x1  }
0xa4: {  	[sflag:s24] =	ssyncset.done $0x0  }
0xa5: {  	s25 =	simm.s32 $0x1B8E;
	[sflag:s24] =	ssyncadd.s32 $0xFFFFFFFF  }
0xa6: {  	s26 =	simm.s32 $execute0_lowered;
	[smem:$0x3FD2] =	sst s25  }
0xa7: {  	s5 =	sshll.u32 s26, $0x1;
	_ =	strace $0x80000046;
	[dreg:$0x1] =	wrdreg $0xFFFFFFFF  }
0xa8: {  	s28 =	simm.s32 $_size_execute0_lowered;
	s4 =	sadd.s32 s4, s5;
	[dreg:$0x0] =	wrdreg $0x0  }
0xa9: {  	s5 =	sshll.u32 s28, $0x1;
	[dreg:$0x2] =	wrdreg s4  }
0xaa: {  	[dreg:$0x3] =	wrdreg s5  }
0xab: {  	[dreg:$0x4] =	wrdreg $0xC0  }
0xac: {  	_ =	task [dreg:s8], $0x5FFFF  }
0xad: {  	[dreg:$0x1] =	wrdreg $0xFFFFFFFF  }
0xae: {  	[dreg:$0x0] =	wrdreg $0x60  }
0xaf: {  	[dreg:$0x2] =	wrdreg s2  }
0xb0: {  	[dreg:$0x3] =	wrdreg s19  }
0xb1: {  	[dreg:$0x4] =	wrdreg $0x9  }
0xb2: {  	_ =	task.clear_ibuf [dreg:s8], $0x5FFFF;
	_ =	strace $0x90000046  }
0xb3: {  	s29 =	simm.s32 $0x9;
	_ =	strace $0x80000048  }
0xb4: {  	_ =	swait.ge [sflag:s29], $0x1  }
0xb5: {  	[sflag:s29] =	ssyncadd.s32 $0xFFFFFFFF  }
0xb6: {  	_ =	strace $0x90000048  }
0xb7: {  	_ =	sfence  }
0xb8: {  	s30 =	sld [smem:$0x0];
	_ =	sdelay $0x2  }
0xb9: {  	s31 =	sshll.u32 s1, $0xD;
	s1 =	sshrl.u32 s1, $0x2  }
0xba: {  	s3 =	sand.u32 $0x4000, s31;
	s1 =	sadd.s32 s1, s30  }
0xbb: {  	s0 =	sor.u32 s3, s0;
	s1 =	sshll.u32 s1, $0x11  }
0xbc: {  	s0 =	sor.u32 s1, s0  }
0xbd: {  	s0 =	sadd.s32 $0x8F2B, s0  }
0xbe: {  	[sflag:s0] =	ssyncadd.remote.s32 $0x1  }
0xbf: {  	_ =	sfence.sel $0xFFFF  }
0xc0: {  	[dreg:$0x0] =	wrdreg $0xFFFFFFFF;
	(pc) =	sbr.abs _section_cstart, $3  }
0xc1: {  	[dreg:$0x1] =	wrdreg $0xFFFFFFFF  }
0xc2: {  	_ =	task.clear_ibuf [dreg:s8], $0x2FFFF;
	_ =	strace $0x9FFFFFFF  }
0xc3: {  	(tm) =	ssettm $0x7FFFFFFF  }
tec
execute0_lowered:
.L_overlay_start_1:
0x0: {  	(tag) =	ssettag $0x1  }
0x1: {  	s0 =	srdreg.scid  }
0x2: {  	s15 =	stileid.u32;
	s10 =	rddreg [dreg:$0x1]  }
0x3: {  	s28 =	simm.s32 $0x0;
	s9 =	sand.u32 $0x1, s0;
	s6 =	smul.u32 $0x2C0000, s15  }
0x4: {  	s0 =	rddreg [dreg:$0x0];
	s1 =	sshll.u32 s15, $0x6;
	s19 =	smul.u32 $0x4C000, s15  }
0x5: {  	s25 =	smul.u32 $0x58000, s15;
	s2 =	sshll.u32 s9, $0x5;
	s3 =	ssub.s32 $0x2, s9  }
0x6: {  	s7 =	smul.u32 $0x160000, s9;
	s1 =	sor.u32 s2, s1;
	s2 =	simm.s32 $0x0  }
0x7: {  	s4 =	sshrl.u32 s3, $0x1;
	s10 =	sadd.s32 s19, s10;
	s19 =	simm.s32 $0xA000  }
0x8: {  	s1 =	smul.u32 $0x1600, s1;
	[smem:$0x7FF] =	sst s2;
	s11 =	sadd.s32 s7, s6  }
0x9: {  	s8 =	ssub.s32 s3, s4;
	_ =	strace $0x80000047;
	s4 =	sor.u32 $0x1C800, s11  }
0xa: {  	s8 =	smax.u32 s8, $0x1;
	s12 =	sor.u32 $0x1B000, s11;
	s13 =	sor.u32 $0x19800, s11  }
0xb: {  	s17 =	sor.u32 $0x1A800, s11;
	s20 =	sor.u32 $0x16000, s11;
	s22 =	sor.u32 $0x11800, s11  }
0xc: {  	s24 =	sor.u32 $0x10000, s11;
	s29 =	sor.u32 $0xE800, s11;
	s30 =	sor.u32 $0xF800, s11  }
0xd: {  	s3 =	sadd.s32 s0, s1;
	s12 =	sshrl.u32 s12, $0x3;
	s14 =	sshrl.u32 s13, $0x3  }
0xe: {  	s18 =	sshrl.u32 s17, $0x3;
	s21 =	sshrl.u32 s20, $0x3;
	s23 =	sshrl.u32 s22, $0x3  }
0xf: {  	s26 =	sshrl.u32 s24, $0x3;
	s13 =	sadd.s32 s25, s0;
	s31 =	sshrl.u32 s30, $0x3  }
0x10: {  	s20 =	simm.s32 $0xD000;
	s22 =	simm.s32 $0xF000;
	s24 =	simm.s32 $0x3  }
0x11: {  	s25 =	simm.s32 $0x2;
	s1 =	sadd.s32 $0x900, s3;
	s5 =	sadd.s32 $0x700, s3  }
0x12: {  	s6 =	sadd.s32 $0xA00, s3;
	s7 =	sadd.s32 $0xD00, s3;
	s12 =	sadd.s32 s12, s0  }
0x13: {  	s16 =	sadd.s32 s14, s0;
	s14 =	smul.u32 $0x26000, s9;
	[dreg:$0x9] =	wrdreg s1  }
0x14: {  	s9 =	smul.u32 $0x2C000, s9;
	s1 =	sshrl.u32 s4, $0x3;
	[dreg:$0x4] =	wrdreg s12  }
0x15: {  	[dreg:$0x5] =	wrdreg s16;
	s12 =	sshrl.u32 s29, $0x3;
	s1 =	sadd.s32 s1, s0  }
0x16: {  	s10 =	sadd.s32 s14, s10;
	s9 =	sadd.s32 s9, s13;
	s11 =	sadd.s32 s12, s0  }
0x17: {  	s13 =	sadd.s32 s31, s0;
	[dreg:$0x3] =	wrdreg s1;
	s1 =	sadd.s32 s18, s0  }
0x18: {  	s12 =	sadd.s32 $0x1600, s9;
	[dreg:$0x6] =	wrdreg s1;
	s1 =	sadd.s32 s21, s0  }
0x19: {  	s18 =	simm.s32 $0x9800;
	s21 =	simm.s32 $0xE000;
	[dreg:$0x7] =	wrdreg s1  }
0x1a: {  	s1 =	sadd.s32 $0x1300, s10;
	s10 =	sadd.s32 s23, s0;
	s23 =	simm.s32 $0x1  }
0x1b: {  	[dreg:$0x8] =	wrdreg s10;
	s10 =	sadd.s32 s26, s0;
	s26 =	simm.s32 $0x4  }
.LBB2_1:
0x1c: {  	s0 =	rddreg [dreg:$0x9]  }
0x1d: {  	[tilespmem:s2], [sflag:$0x1] =	stream.linear.gather [hbm4b:s0+s2], $0x800, $0x38;
	[tilespmem:$0x13000] =	vst v63  }
0x1e: {  	s14 =	simm.s32 $0x800  }
0x1f: {  	[tilespmem:s14], [sflag:$0x1] =	stream.linear.gather [hbm4b:s3+s2], $0x3000, $0x38;
	[tilespmem:$0x13000] =	vst v63  }
0x20: {  	s15 =	simm.s32 $0x3800  }
0x21: {  	[tilespmem:s15], [sflag:$0x1] =	stream.linear.gather [hbm4b:s5+s2], $0x1000, $0x38;
	[tilespmem:$0x13000] =	vst v63  }
0x22: {  	s16 =	simm.s32 $0x4800;
	p0 =	por $0x1, $0x1  }
0x23: {  	[tilespmem:s16], [sflag:$0x1] =	stream.linear.gather [hbm4b:s6+s2], $0x1000, $0x38;
	[tilespmem:$0x13000] =	vst v63  }
0x24: {  	s17 =	simm.s32 $0x5800;
	s0 =	simm.s32 @!p0 $0x4  }
0x25: {  	[tilespmem:s17], [sflag:$0x1] =	stream.linear.gather [hbm4b:s7+s2], $0x4000, $0x38;
	[tilespmem:$0x13000] =	vst v63  }
0x26: {  	_ =	swait.ge @!p0 [sflag:s0], $0x9800  }
0x27: {  	[sflag:s0] =	ssyncset.done @!p0 $0x0  }
0x28: {  	s4 =	sadd.s32 $0x0, s13;
	[sflag:s0] =	ssyncadd.s32 @!p0 $0xFFFF6800  }
0x29: {  	[tilespmem:s18], [sflag:$0x2] =	stream.linear.gather [hbm4b:s4+s2], $0x800, $0x38;
	[tilespmem:$0x13000] =	vst v63  }
0x2a: {  	s9 =	sadd.s32 $0x0, s12  }
0x2b: {  	[tilespmem:s19], [sflag:$0x2] =	stream.linear.gather [hbm4b:s9+s2], $0x3000, $0x38;
	[tilespmem:$0x13000] =	vst v63  }
0x2c: {  	s14 =	sadd.s32 $0x0, s11  }
0x2d: {  	[tilespmem:s20], [sflag:$0x2] =	stream.linear.gather [hbm4b:s14+s2], $0x1000, $0x38;
	[tilespmem:$0x13000] =	vst v63  }
0x2e: {  	s15 =	sadd.s32 $0x0, s10;
	s9 =	rddreg [dreg:$0x8]  }
0x2f: {  	[tilespmem:s21], [sflag:$0x2] =	stream.linear.gather [hbm4b:s15+s2], $0x1000, $0x38;
	[tilespmem:$0x13000] =	vst v63  }
0x30: {  	s16 =	sadd.s32 $0x0, s9  }
0x31: {  	[tilespmem:s22], [sflag:$0x2] =	stream.linear.gather [hbm4b:s16+s2], $0x4000, $0x38;
	[tilespmem:$0x13000] =	vst v63  }
0x32: {  	_ =	swait.ge [sflag:s23], $0x800  }
0x33: {  	[sflag:s23] =	ssyncset.done $0x0  }
0x34: {  	[sflag:s23] =	ssyncadd.s32 $0xFFFFF800  }
0x35: {  	_ =	swait.ge [sflag:s23], $0x3000  }
0x36: {  	[sflag:s23] =	ssyncset.done $0x0  }
0x37: {  	[sflag:s23] =	ssyncadd.s32 $0xFFFFD000  }
0x38: {  	_ =	swait.ge [sflag:s23], $0x1000  }
0x39: {  	[sflag:s23] =	ssyncset.done $0x0  }
0x3a: {  	[sflag:s23] =	ssyncadd.s32 $0xFFFFF000  }
0x3b: {  	_ =	swait.ge [sflag:s23], $0x1000  }
0x3c: {  	[sflag:s23] =	ssyncset.done $0x0  }
0x3d: {  	[sflag:s23] =	ssyncadd.s32 $0xFFFFF000  }
0x3e: {  	_ =	swait.ge [sflag:s23], $0x4000  }
0x3f: {  	[sflag:s23] =	ssyncset.done $0x0  }
0x40: {  	s17 =	sadd.s32 $0xFFFFED00, s1;
	[sflag:s23] =	ssyncadd.s32 $0xFFFFC000  }
0x41: {  	[hbm4b:s17+s2] =	stream.linear.scatter [tilespmem:s2], [sflag:$0x3], $0x9800, $0x38;
	[tilespmem:$0x13000] =	vst v63  }
0x42: {  	p0 =	por $0x0, $0x0;
	_ =	swait.ge [sflag:s24], $0x9800  }
0x43: {  	s30 =	simm.s32 @!p0 $0x0;
	s0 =	rddreg [dreg:$0x6];
	[sflag:s24] =	ssyncset.done $0x0  }
0x44: {  	s29 =	rddreg [dreg:$0x7];
	[sflag:s24] =	ssyncadd.s32 $0xFFFF6800;
	s0 =	sadd.s32 @!p0 $0x0, s0  }
0x45: {  	[tilespmem:s30], [sflag:$0x1] =	stream.linear.gather @!p0 [hbm4b:s0+s30], $0x800, $0x38;
	[tilespmem:$0x13000] =	vst v63  }
0x46: {  	s9 =	rddreg [dreg:$0x5];
	s0 =	sadd.s32 @!p0 $0x0, s29;
	s29 =	simm.s32 @!p0 $0x800  }
0x47: {  	[tilespmem:s29], [sflag:$0x1] =	stream.linear.gather @!p0 [hbm4b:s0+s30], $0x3000, $0x38;
	[tilespmem:$0x13000] =	vst v63  }
0x48: {  	s9 =	sadd.s32 @!p0 $0x0, s9;
	s0 =	rddreg [dreg:$0x4];
	s29 =	simm.s32 @!p0 $0x3800  }
0x49: {  	[tilespmem:s29], [sflag:$0x1] =	stream.linear.gather @!p0 [hbm4b:s9+s30], $0x1000, $0x38;
	[tilespmem:$0x13000] =	vst v63  }
0x4a: {  	s0 =	sadd.s32 @!p0 $0x0, s0;
	s9 =	rddreg [dreg:$0x3];
	s29 =	simm.s32 @!p0 $0x4800  }
0x4b: {  	[tilespmem:s29], [sflag:$0x1] =	stream.linear.gather @!p0 [hbm4b:s0+s30], $0x1000, $0x38;
	[tilespmem:$0x13000] =	vst v63  }
0x4c: {  	s0 =	sadd.s32 @!p0 $0x0, s9;
	s9 =	simm.s32 @!p0 $0x5800  }
0x4d: {  	[tilespmem:s9], [sflag:$0x1] =	stream.linear.gather @!p0 [hbm4b:s0+s30], $0x4000, $0x38;
	[tilespmem:$0x13000] =	vst v63  }
0x4e: {  	_ =	swait.ge [sflag:s25], $0x800  }
0x4f: {  	[sflag:s25] =	ssyncset.done $0x0  }
0x50: {  	[sflag:s25] =	ssyncadd.s32 $0xFFFFF800  }
0x51: {  	_ =	swait.ge [sflag:s25], $0x3000  }
0x52: {  	[sflag:s25] =	ssyncset.done $0x0  }
0x53: {  	[sflag:s25] =	ssyncadd.s32 $0xFFFFD000  }
0x54: {  	_ =	swait.ge [sflag:s25], $0x1000  }
0x55: {  	[sflag:s25] =	ssyncset.done $0x0  }
0x56: {  	[sflag:s25] =	ssyncadd.s32 $0xFFFFF000  }
0x57: {  	_ =	swait.ge [sflag:s25], $0x1000  }
0x58: {  	[sflag:s25] =	ssyncset.done $0x0  }
0x59: {  	s31 =	simm.s32 $0x5800;
	[sflag:s25] =	ssyncadd.s32 $0xFFFFF000  }
0x5a: {  	p1 =	por $0x0, $0x0;
	s29 =	sadd.s32 $0x2600, s1;
	_ =	swait.ge [sflag:s25], $0x4000  }
0x5b: {  	s30 =	simm.s32 $0x2C00;
	s9 =	smov.u32 s1;
	[sflag:s25] =	ssyncset.done $0x0  }
.LBB2_2:
0x5c: {  	s14 =	simm.s32 @!p1 $0x4;
	[sflag:s25] =	ssyncadd.s32 $0xFFFFC000  }
0x5d: {  	[hbm4b:s9+s2] =	stream.linear.scatter [tilespmem:s18], [sflag:$0x4], $0x9800, $0x38;
	[tilespmem:$0x13000] =	vst v63  }
0x5e: {  	_ =	swait.ge @!p1 [sflag:s14], $0x9800  }
0x5f: {  	[sflag:s14] =	ssyncset.done @!p1 $0x0  }
0x60: {  	s15 =	sadd.s32 s30, s13;
	[sflag:s14] =	ssyncadd.s32 @!p1 $0xFFFF6800  }
0x61: {  	[tilespmem:s18], [sflag:$0x2] =	stream.linear.gather [hbm4b:s15+s2], $0x800, $0x38;
	[tilespmem:$0x13000] =	vst v63  }
0x62: {  	s16 =	sadd.s32 s30, s12  }
0x63: {  	[tilespmem:s19], [sflag:$0x2] =	stream.linear.gather [hbm4b:s16+s2], $0x3000, $0x38;
	[tilespmem:$0x13000] =	vst v63  }
0x64: {  	s17 =	sadd.s32 s30, s11  }
0x65: {  	[tilespmem:s20], [sflag:$0x2] =	stream.linear.gather [hbm4b:s17+s2], $0x1000, $0x38;
	[tilespmem:$0x13000] =	vst v63  }
0x66: {  	s4 =	sadd.s32 s30, s10;
	s15 =	rddreg [dreg:$0x8]  }
0x67: {  	[tilespmem:s21], [sflag:$0x2] =	stream.linear.gather [hbm4b:s4+s2], $0x1000, $0x38;
	[tilespmem:$0x13000] =	vst v63  }
0x68: {  	s16 =	sadd.s32 s30, s15  }
0x69: {  	[tilespmem:s22], [sflag:$0x2] =	stream.linear.gather [hbm4b:s16+s2], $0x4000, $0x38;
	[tilespmem:$0x13000] =	vst v63  }
0x6a: {  	_ =	swait.ge [sflag:s23], $0x800  }
0x6b: {  	[sflag:s23] =	ssyncset.done $0x0  }
0x6c: {  	[sflag:s23] =	ssyncadd.s32 $0xFFFFF800  }
0x6d: {  	_ =	swait.ge [sflag:s23], $0x3000  }
0x6e: {  	[sflag:s23] =	ssyncset.done $0x0  }
0x6f: {  	[sflag:s23] =	ssyncadd.s32 $0xFFFFD000  }
0x70: {  	_ =	swait.ge [sflag:s23], $0x1000  }
0x71: {  	[sflag:s23] =	ssyncset.done $0x0  }
0x72: {  	[sflag:s23] =	ssyncadd.s32 $0xFFFFF000  }
0x73: {  	_ =	swait.ge [sflag:s23], $0x1000  }
0x74: {  	[sflag:s23] =	ssyncset.done $0x0  }
0x75: {  	[sflag:s23] =	ssyncadd.s32 $0xFFFFF000  }
0x76: {  	_ =	swait.ge [sflag:s23], $0x4000  }
0x77: {  	[sflag:s23] =	ssyncset.done $0x0  }
0x78: {  	s17 =	sadd.s32 $0xFFFFED00, s29;
	[sflag:s23] =	ssyncadd.s32 $0xFFFFC000  }
0x79: {  	[hbm4b:s17+s2] =	stream.linear.scatter [tilespmem:s2], [sflag:$0x3], $0x9800, $0x38;
	[tilespmem:$0x13000] =	vst v63  }
0x7a: {  	p1 =	seq.s32 s30, $0x29400;
	_ =	swait.ge [sflag:s24], $0x9800  }
0x7b: {  	s17 =	simm.s32 @!p1 $0x0;
	s14 =	rddreg [dreg:$0x6];
	[sflag:s24] =	ssyncset.done $0x0  }
0x7c: {  	s16 =	rddreg [dreg:$0x7];
	[sflag:s24] =	ssyncadd.s32 $0xFFFF6800;
	s14 =	sadd.s32 @!p1 s30, s14  }
0x7d: {  	[tilespmem:s17], [sflag:$0x1] =	stream.linear.gather @!p1 [hbm4b:s14+s17], $0x800, $0x38;
	[tilespmem:$0x13000] =	vst v63  }
0x7e: {  	s15 =	rddreg [dreg:$0x5];
	s14 =	sadd.s32 @!p1 s30, s16;
	s16 =	simm.s32 @!p1 $0x800  }
0x7f: {  	[tilespmem:s16], [sflag:$0x1] =	stream.linear.gather @!p1 [hbm4b:s14+s17], $0x3000, $0x38;
	[tilespmem:$0x13000] =	vst v63  }
0x80: {  	s4 =	rddreg [dreg:$0x4];
	s14 =	sadd.s32 @!p1 s30, s15;
	s15 =	simm.s32 @!p1 $0x3800  }
0x81: {  	[tilespmem:s15], [sflag:$0x1] =	stream.linear.gather @!p1 [hbm4b:s14+s17], $0x1000, $0x38;
	[tilespmem:$0x13000] =	vst v63  }
0x82: {  	s4 =	sadd.s32 @!p1 s30, s4;
	s16 =	rddreg [dreg:$0x3];
	s14 =	simm.s32 @!p1 $0x4800  }
0x83: {  	[tilespmem:s14], [sflag:$0x1] =	stream.linear.gather @!p1 [hbm4b:s4+s17], $0x1000, $0x38;
	[tilespmem:$0x13000] =	vst v63  }
0x84: {  	s4 =	sadd.s32 @!p1 s30, s16;
	s14 =	simm.s32 @!p1 $0x5800  }
0x85: {  	[tilespmem:s14], [sflag:$0x1] =	stream.linear.gather @!p1 [hbm4b:s4+s17], $0x4000, $0x38;
	[tilespmem:$0x13000] =	vst v63  }
0x86: {  	_ =	swait.ge [sflag:s25], $0x800  }
0x87: {  	[sflag:s25] =	ssyncset.done $0x0  }
0x88: {  	[sflag:s25] =	ssyncadd.s32 $0xFFFFF800  }
0x89: {  	_ =	swait.ge [sflag:s25], $0x3000  }
0x8a: {  	[sflag:s25] =	ssyncset.done $0x0  }
0x8b: {  	[sflag:s25] =	ssyncadd.s32 $0xFFFFD000  }
0x8c: {  	_ =	swait.ge [sflag:s25], $0x1000  }
0x8d: {  	s0 =	smov.u32 s31;
	s31 =	sadd.s32 $0x2C00, s31;
	[sflag:s25] =	ssyncset.done $0x0  }
0x8e: {  	p0 =	sne.s32 s31, $0x2C000;
	[sflag:s25] =	ssyncadd.s32 $0xFFFFF000  }
.Ltmp0:
0x8f: {  	_ =	swait.ge [sflag:s25], $0x1000;
	(pc) =	sbr.rel @p0 .LBB2_2-.Ltmp0, $4  }
0x90: {  	[sflag:s25] =	ssyncset.done $0x0  }
0x91: {  	[sflag:s25] =	ssyncadd.s32 $0xFFFFF000  }
0x92: {  	s9 =	smov.u32 s29;
	s30 =	smov.u32 s0;
	_ =	swait.ge [sflag:s25], $0x4000  }
0x93: {  	s29 =	sadd.s32 $0x2600, s29;
	p1 =	seq.s32 s30, $0x0;
	[sflag:s25] =	ssyncset.done $0x0  }
0x94: {  	s0 =	simm.s32 @!p1 $0x4;
	[sflag:s25] =	ssyncadd.s32 $0xFFFFC000  }
0x95: {  	[hbm4b:s9+s2] =	stream.linear.scatter [tilespmem:s18], [sflag:$0x4], $0x9800, $0x38;
	[tilespmem:$0x13000] =	vst v63  }
0x96: {  	_ =	swait.ge @!p1 [sflag:s0], $0x9800  }
0x97: {  	[sflag:s0] =	ssyncset.done @!p1 $0x0  }
0x98: {  	s9 =	sadd.s32 s30, s13;
	[sflag:s0] =	ssyncadd.s32 @!p1 $0xFFFF6800  }
0x99: {  	[tilespmem:s18], [sflag:$0x2] =	stream.linear.gather [hbm4b:s9+s2], $0x800, $0x38;
	[tilespmem:$0x13000] =	vst v63  }
0x9a: {  	s14 =	sadd.s32 s30, s12  }
0x9b: {  	[tilespmem:s19], [sflag:$0x2] =	stream.linear.gather [hbm4b:s14+s2], $0x3000, $0x38;
	[tilespmem:$0x13000] =	vst v63  }
0x9c: {  	s15 =	sadd.s32 s30, s11  }
0x9d: {  	[tilespmem:s20], [sflag:$0x2] =	stream.linear.gather [hbm4b:s15+s2], $0x1000, $0x38;
	[tilespmem:$0x13000] =	vst v63  }
0x9e: {  	s16 =	sadd.s32 s30, s10;
	s4 =	rddreg [dreg:$0x8]  }
0x9f: {  	[tilespmem:s21], [sflag:$0x2] =	stream.linear.gather [hbm4b:s16+s2], $0x1000, $0x38;
	[tilespmem:$0x13000] =	vst v63  }
0xa0: {  	s17 =	sadd.s32 s30, s4  }
0xa1: {  	[tilespmem:s22], [sflag:$0x2] =	stream.linear.gather [hbm4b:s17+s2], $0x4000, $0x38;
	[tilespmem:$0x13000] =	vst v63  }
0xa2: {  	_ =	swait.ge [sflag:s23], $0x800  }
0xa3: {  	[sflag:s23] =	ssyncset.done $0x0  }
0xa4: {  	[sflag:s23] =	ssyncadd.s32 $0xFFFFF800  }
0xa5: {  	_ =	swait.ge [sflag:s23], $0x3000  }
0xa6: {  	[sflag:s23] =	ssyncset.done $0x0  }
0xa7: {  	[sflag:s23] =	ssyncadd.s32 $0xFFFFD000  }
0xa8: {  	_ =	swait.ge [sflag:s23], $0x1000  }
0xa9: {  	[sflag:s23] =	ssyncset.done $0x0  }
0xaa: {  	[sflag:s23] =	ssyncadd.s32 $0xFFFFF000  }
0xab: {  	_ =	swait.ge [sflag:s23], $0x1000  }
0xac: {  	[sflag:s23] =	ssyncset.done $0x0  }
0xad: {  	[sflag:s23] =	ssyncadd.s32 $0xFFFFF000  }
0xae: {  	_ =	swait.ge [sflag:s23], $0x4000  }
0xaf: {  	[sflag:s23] =	ssyncset.done $0x0  }
0xb0: {  	s31 =	sadd.s32 $0xFFFFED00, s29;
	[sflag:s23] =	ssyncadd.s32 $0xFFFFC000  }
0xb1: {  	[hbm4b:s31+s2] =	stream.linear.scatter [tilespmem:s2], [sflag:$0x3], $0x9800, $0x38;
	[tilespmem:$0x13000] =	vst v63  }
0xb2: {  	p0 =	seq.s32 s30, $0x29400;
	_ =	swait.ge [sflag:s24], $0x9800  }
0xb3: {  	s14 =	simm.s32 @!p0 $0x0;
	s0 =	rddreg [dreg:$0x6];
	[sflag:s24] =	ssyncset.done $0x0  }
0xb4: {  	s9 =	rddreg [dreg:$0x7];
	[sflag:s24] =	ssyncadd.s32 $0xFFFF6800;
	s0 =	sadd.s32 @!p0 s30, s0  }
0xb5: {  	[tilespmem:s14], [sflag:$0x1] =	stream.linear.gather @!p0 [hbm4b:s0+s14], $0x800, $0x38;
	[tilespmem:$0x13000] =	vst v63  }
0xb6: {  	s4 =	rddreg [dreg:$0x5];
	s0 =	sadd.s32 @!p0 s30, s9;
	s9 =	simm.s32 @!p0 $0x800  }
0xb7: {  	[tilespmem:s9], [sflag:$0x1] =	stream.linear.gather @!p0 [hbm4b:s0+s14], $0x3000, $0x38;
	[tilespmem:$0x13000] =	vst v63  }
0xb8: {  	s15 =	rddreg [dreg:$0x4];
	s0 =	sadd.s32 @!p0 s30, s4;
	s4 =	simm.s32 @!p0 $0x3800  }
0xb9: {  	[tilespmem:s4], [sflag:$0x1] =	stream.linear.gather @!p0 [hbm4b:s0+s14], $0x1000, $0x38;
	[tilespmem:$0x13000] =	vst v63  }
0xba: {  	s9 =	rddreg [dreg:$0x3];
	s0 =	sadd.s32 @!p0 s30, s15;
	s4 =	simm.s32 @!p0 $0x4800  }
0xbb: {  	[tilespmem:s4], [sflag:$0x1] =	stream.linear.gather @!p0 [hbm4b:s0+s14], $0x1000, $0x38;
	[tilespmem:$0x13000] =	vst v63  }
0xbc: {  	s0 =	sadd.s32 @!p0 s30, s9;
	s4 =	simm.s32 @!p0 $0x5800  }
0xbd: {  	[tilespmem:s4], [sflag:$0x1] =	stream.linear.gather @!p0 [hbm4b:s0+s14], $0x4000, $0x38;
	[tilespmem:$0x13000] =	vst v63  }
0xbe: {  	_ =	swait.ge [sflag:s25], $0x800  }
0xbf: {  	[sflag:s25] =	ssyncset.done $0x0  }
0xc0: {  	[sflag:s25] =	ssyncadd.s32 $0xFFFFF800  }
0xc1: {  	_ =	swait.ge [sflag:s25], $0x3000  }
0xc2: {  	[sflag:s25] =	ssyncset.done $0x0  }
0xc3: {  	[sflag:s25] =	ssyncadd.s32 $0xFFFFD000  }
0xc4: {  	_ =	swait.ge [sflag:s25], $0x1000  }
0xc5: {  	[sflag:s25] =	ssyncset.done $0x0  }
0xc6: {  	[sflag:s25] =	ssyncadd.s32 $0xFFFFF000  }
0xc7: {  	_ =	swait.ge [sflag:s25], $0x1000  }
0xc8: {  	[sflag:s25] =	ssyncset.done $0x0  }
0xc9: {  	[sflag:s25] =	ssyncadd.s32 $0xFFFFF000  }
0xca: {  	s28 =	sadd.s32 $0x1, s28;
	_ =	swait.ge [sflag:s25], $0x4000  }
0xcb: {  	p0 =	sne.s32 s28, s8;
	[sflag:s25] =	ssyncset.done $0x0  }
.Ltmp1:
0xcc: {  	[sflag:s25] =	ssyncadd.s32 $0xFFFFC000;
	(pc) =	sbr.rel @p0 .LBB2_1-.Ltmp1, $4  }
0xcd: {  	[hbm4b:s29+s2] =	stream.linear.scatter [tilespmem:s18], [sflag:$0x4], $0x9800, $0x38;
	[tilespmem:$0x13000] =	vst v63  }
0xce: {  	_ =	swait.ge [sflag:s26], $0x9800  }
0xcf: {  	[sflag:s26] =	ssyncset.done $0x0  }
0xd0: {  	[sflag:s26] =	ssyncadd.s32 $0xFFFF6800  }
0xd1: {  	_ =	sfence.sel $0x180000  }
0xd2: {  	[bflag:$0x0] =	sbarrier.arrive $0xFFFF  }
0xd3: {  	_ =	strace $0x90000047  }
0xd4: {  	s0 =	stileid.u32;
	[bflag:$0x2] =	sbarrier.arrive $0xFFFF  }
0xd5: {  	p0 =	sne.s32 s0, $0x0;
	s0 =	rddreg [dreg:$0x2]  }
0xd6: {  	s0 =	sadd.s32 @!p0 $0x100000, s0  }
0xd7: {  	[sflag:s0] =	ssyncadd.tile.s32 @!p0 $0x1;
	_ =	shalt  }
.Lfunc_end2:
_tile_overlayer_lowered:
.L_overlay_start_2:
0xd8: {  	(tag) =	ssettag $0x2  }
0xd9: {  	s0 =	rddreg [dreg:$0x0];
	s2 =	stileid.u32  }
0xda: {  	s1 =	rddreg [dreg:$0x1];
	p0 =	sne.s32 s2, $0x0  }
0xdb: {  	s3 =	rddreg [dreg:$0x2];
	[bflag:$0x3] =	sbarrier.arrive $0xFFFF;
	s2 =	simm.s32 @!p0 $0x1C05  }
0xdc: {  	[timem:s3], [sflag:s2] =	dma.local @!p0 [hbm:s0], s1  }
0xdd: {  	s0 =	simm.s32 @!p0 $0x5  }
0xde: {  	_ =	swait.ge @!p0 [sflag:s0], s1  }
0xdf: {  	s1 =	ssub.s32 @!p0 $0x0, s1;
	[sflag:s0] =	ssyncset.done @!p0 $0x0  }
0xe0: {  	[sflag:s0] =	ssyncadd.s32 @!p0 s1  }
0xe1: {  	[bflag:$0x3] =	sbarrier.arrive $0xFFFF  }
0xe2: {  	_ =	shalt  }

</sc_bundles>
